<compile_context>
chip_gen: v7x
topology: tpu7x:2x2x1
jax: 0.10.2.dev20260603
libtpu: 0.0.44.dev20260713+nightly
codegen_flags: <defaults>
</compile_context>

<pallas_src>
import functools

import jax
import jax.numpy as jnp
from jax import lax
from jax.experimental import pallas as pl
from jax.experimental.pallas import tpu as pltpu
from jax.experimental.pallas import tpu_sc as plsc

_E = 8
_TOPK = 2
_CAP_FACTOR = 1.25
_LANES = 16


def _tc_gate_body(nblocks, num_tokens, x_ref, w_ref, lc_ref, ent_ref,
                  ent_acc):
    i = pl.program_id(0)
    xb = x_ref[...]
    wb = w_ref[...]
    dn = (((1,), (1,)), ((), ()))
    lt = lax.dot_general(wb, xb, dn, preferred_element_type=jnp.float32)
    lc_ref[...] = lt
    m = jnp.max(lt, axis=0, keepdims=True)
    z = lt - m
    ez = jnp.exp(z)
    s = jnp.sum(ez, axis=0, keepdims=True)
    ent_blk = jnp.sum(jnp.log(s) - jnp.sum(ez * z, axis=0, keepdims=True) / s)
    prev = jnp.where(i == 0, jnp.float32(0.0), ent_acc[0])
    tot = prev + ent_blk
    ent_acc[0] = tot

    @pl.when(i == nblocks - 1)
    def _():
        ent_ref[0, 0] = jnp.maximum(
            jnp.log(jnp.float32(_E)) - tot / jnp.float32(num_tokens), 0.0)


def _sc_route_body(lc_ref, dwt_ref, idxt_ref, part_ref, lg_v, dw_v, ii_v,
                   stage_v):
    wid = lax.axis_index("s") * 2 + lax.axis_index("c")
    tpt = lg_v.shape[1]
    groups = tpt // _LANES
    pltpu.sync_copy(lc_ref.at[:, pl.ds(wid * tpt, tpt)], lg_v)
    lanes = lax.iota(jnp.int32, _LANES)
    neg = jnp.float32(-1e30)
    one = jnp.float32(1.0)
    zero = jnp.float32(0.0)

    def body(g, carry):
        cnt = carry[:_E]
        ps = carry[_E:]
        base = g * _LANES
        l = [lg_v[e, pl.ds(base, _LANES)] for e in range(_E)]
        m = l[0]
        for e in range(1, _E):
            m = jnp.maximum(m, l[e])
        i1 = jnp.zeros((_LANES,), jnp.int32)
        for e in range(_E - 1, -1, -1):
            i1 = jnp.where(l[e] == m, jnp.int32(e), i1)
        m2 = jnp.zeros((_LANES,), jnp.float32) + neg
        for e in range(_E):
            m2 = jnp.maximum(m2, jnp.where(i1 == e, neg, l[e]))
        i2 = jnp.zeros((_LANES,), jnp.int32)
        for e in range(_E - 1, -1, -1):
            i2 = jnp.where((l[e] == m2) & (i1 != e), jnp.int32(e), i2)
        ez = [jnp.exp(l[e] - m) for e in range(_E)]
        s = ez[0]
        for e in range(1, _E):
            s = s + ez[e]
        rinv = one / s
        w1 = rinv
        w2 = jnp.exp(m2 - m) * rinv
        new_cnt = []
        new_ps = []
        for e in range(_E):
            inc = (jnp.where(i1 == e, one, zero)
                   + jnp.where(i2 == e, one, zero))
            new_cnt.append(cnt[e] + inc)
            new_ps.append(ps[e] + ez[e] * rinv)
        dw_v[0, pl.ds(base, _LANES)] = w1
        dw_v[1, pl.ds(base, _LANES)] = w2
        ii_v[0, pl.ds(base, _LANES)] = i1
        ii_v[1, pl.ds(base, _LANES)] = i2
        return tuple(new_cnt) + tuple(new_ps)

    init = tuple(jnp.zeros((_LANES,), jnp.float32) for _ in range(2 * _E))
    acc = lax.fori_loop(0, groups, body, init)
    pltpu.sync_copy(dw_v, dwt_ref.at[wid])
    pltpu.sync_copy(ii_v, idxt_ref.at[wid])
    def _lanesum(v):
        t = v[0]
        for k in range(1, _LANES):
            t = t + v[k]
        return t

    cv = jnp.zeros((_LANES,), jnp.float32)
    pv = jnp.zeros((_LANES,), jnp.float32)
    for e in range(_E):
        cv = jnp.where(lanes == e, _lanesum(acc[e]), cv)
        pv = jnp.where(lanes == e, _lanesum(acc[_E + e]), pv)
    stage_v[pl.ds(0, _LANES)] = cv
    stage_v[pl.ds(_LANES, _LANES)] = pv
    pltpu.sync_copy(stage_v, part_ref.at[wid])


def _tc_stats_body(num_tokens, cap, part_ref, stats_ref):
    p = part_ref[...]
    cnt = jnp.sum(p[:, 0:_LANES], axis=0, keepdims=True)
    ps = jnp.sum(p[:, _LANES:2 * _LANES], axis=0, keepdims=True)
    n = jnp.float32(num_tokens)
    usage = cnt / n
    lb = jnp.sum(cnt * ps) * (jnp.float32(_E) / (n * n))
    dropped = jnp.sum(jnp.where(cnt > jnp.float32(cap), 1.0, 0.0))
    lanes = lax.broadcasted_iota(jnp.int32, (1, _LANES), 1)
    stats = jnp.where(lanes == _E, lb, usage)
    stats = jnp.where(lanes == _E + 1, dropped, stats)
    stats_ref[...] = stats


def kernel(x, W):
    b, s, d = x.shape
    e = W.shape[0]
    nt = b * s
    xf = x.reshape(nt, d)
    blk = 2048
    nblocks = nt // blk
    ntiles = 32
    tpt = nt // ntiles

    tc = pl.pallas_call(
        functools.partial(_tc_gate_body, nblocks, nt),
        grid=(nblocks,),
        in_specs=[
            pl.BlockSpec((blk, d), lambda i: (i, 0)),
            pl.BlockSpec((e, d), lambda i: (0, 0)),
        ],
        out_specs=[
            pl.BlockSpec((e, blk), lambda i: (0, i)),
            pl.BlockSpec((1, 1), lambda i: (0, 0), memory_space=pltpu.SMEM),
        ],
        out_shape=[
            jax.ShapeDtypeStruct((e, nt), jnp.float32),
            jax.ShapeDtypeStruct((1, 1), jnp.float32),
        ],
        scratch_shapes=[pltpu.SMEM((1,), jnp.float32)],
        compiler_params=pltpu.CompilerParams(
            dimension_semantics=("arbitrary",)),
    )
    lc, ent = tc(xf, W)

    mesh = plsc.VectorSubcoreMesh(core_axis_name="c", subcore_axis_name="s",
                                  num_cores=2)
    sc = pl.kernel(
        _sc_route_body,
        out_type=[
            jax.ShapeDtypeStruct((ntiles, 2, tpt), jnp.float32),
            jax.ShapeDtypeStruct((ntiles, 2, tpt), jnp.int32),
            jax.ShapeDtypeStruct((ntiles, 2 * _LANES), jnp.float32),
        ],
        mesh=mesh,
        scratch_types=[
            pltpu.VMEM((e, tpt), jnp.float32),
            pltpu.VMEM((2, tpt), jnp.float32),
            pltpu.VMEM((2, tpt), jnp.int32),
            pltpu.VMEM((2 * _LANES,), jnp.float32),
        ],
    )
    logits = jnp.transpose(lc, (1, 0))
    dwt, idxt, part = sc(lc)

    cap = max(1, int(nt * _TOPK * _CAP_FACTOR) // e)
    tc_stats = pl.pallas_call(
        functools.partial(_tc_stats_body, nt, cap),
        in_specs=[pl.BlockSpec((ntiles, 2 * _LANES), lambda: (0, 0))],
        out_specs=pl.BlockSpec((1, _LANES), lambda: (0, 0)),
        out_shape=jax.ShapeDtypeStruct((1, _LANES), jnp.float32),
    )
    stats = tc_stats(part)

    dispatch_weights = jnp.transpose(dwt, (0, 2, 1)).reshape(nt, 2)
    expert_indices = jnp.transpose(idxt, (0, 2, 1)).reshape(nt, 2)
    return (dispatch_weights, expert_indices, logits, stats[0, e], ent[0, 0],
            stats[0, e + 1].astype(jnp.int32), stats[0, :e])

# --- scband reference (transcript-rebuilt; emitter-appended) ---
"""Pipeline reference for scband-mo-erouter-28484223107687 (READ-ONLY COPY).

The authoritative reference and input builder live on the scoring server;
editing this copy changes nothing except your own understanding.
"""

import jax, jax.numpy as jnp
import numpy as np

NUM_EXPERTS = 8
TOP_K = 2
CAPACITY_FACTOR = 1.25
D_MODEL = 768


def setup_inputs(seed: int = 0) -> dict:
    key = jax.random.key(seed)
    k1, k2 = jax.random.split(key)
    x = jax.random.normal(k1, (4, 8192, D_MODEL), dtype=jnp.float32)
    # gate: nn.Linear(d_model, num_experts, bias=False) -> weight shape [E, d_model]
    W = jax.random.normal(k2, (NUM_EXPERTS, D_MODEL), dtype=jnp.float32) * 0.02
    return {"x": x, "W": W}


def reference(x, W):
    b, s, d = x.shape
    num_tokens = b * s
    x_flat = x.reshape(num_tokens, d)
    router_logits = x_flat @ W.T
    # eval / noise_std=0: no noise; top_k_training == top_k_inference == TOP_K
    top_k = min(TOP_K, NUM_EXPERTS)
    probs = jax.nn.softmax(router_logits, axis=-1)
    dispatch_weights, expert_indices = jax.lax.top_k(probs, top_k)
    total_capacity = int(num_tokens * top_k * CAPACITY_FACTOR)
    per_expert_capacity = max(1, total_capacity // NUM_EXPERTS)
    expert_mask = jax.nn.one_hot(expert_indices, NUM_EXPERTS, dtype=jnp.float32).sum(axis=1)
    tokens_per_expert = expert_mask.sum(axis=0)
    capacity_mask = tokens_per_expert > per_expert_capacity
    num_dropped = capacity_mask.sum()
    avg_probs = probs.mean(axis=0)
    load_balance_loss = (tokens_per_expert / max(1, num_tokens) * avg_probs).sum() * NUM_EXPERTS
    log_probs = jax.nn.log_softmax(router_logits, axis=-1)
    entropy = -(probs * log_probs).sum(axis=-1).mean()
    target_entropy = jnp.log(jnp.float32(NUM_EXPERTS))
    router_entropy_loss = jnp.maximum(target_entropy - entropy, 0.0)
    expert_usage = tokens_per_expert / max(1, num_tokens)
    return (dispatch_weights, expert_indices, router_logits, load_balance_loss,
            router_entropy_loss, num_dropped, expert_usage)

if __name__ == "__main__":
    import jax
    _d = setup_inputs()
    print(jax.jit(kernel)(*tuple(_d.values())))

</pallas_src>

<mosaic_0001>
#map = affine_map<(d0, d1) -> (0, 0)>
#map1 = affine_map<(d0, d1) -> (0, 0, 0)>
module attributes {stable_mosaic.version = 14 : i64} {
  func.func @_sc_route_body(%arg0: i32, %arg1: i32, %arg2: memref<8x32768xf32, #tpu.memory_space<hbm>>, %arg3: memref<32x2x1024xf32, #tpu.memory_space<hbm>>, %arg4: memref<32x2x1024xi32, #tpu.memory_space<hbm>>, %arg5: memref<32x32xf32, #tpu.memory_space<hbm>>, %arg6: memref<8x1024xf32, #tpu.memory_space<vmem>>, %arg7: memref<2x1024xf32, #tpu.memory_space<vmem>>, %arg8: memref<2x1024xi32, #tpu.memory_space<vmem>>, %arg9: memref<32xf32, #tpu.memory_space<vmem>>) attributes {dimension_semantics = [#tpu.dimension_semantics<core_parallel>, #tpu.dimension_semantics<subcore_parallel>], iteration_bounds = array<i64: 2, 16>, scalar_prefetch = 0 : i64, scratch_operands = 4 : i64, tpu.core_type = #tpu.core_type<sc_vector_subcore>, window_params = [{transform_indices = #map}, {transform_indices = #map1}, {transform_indices = #map1}, {transform_indices = #map}]} {
    %mul3A = arith.constant 2 : i32
    %mul3A_0 = arith.muli %arg1, %mul3A : i32
    %add3A = arith.addi %mul3A_0, %arg0 : i32
    %mul3A_1 = arith.constant 1024 : i32
    %mul3A_2 = arith.muli %add3A, %mul3A_1 : i32
    "tpu.region"() ({
      %run_scoped3A = tpu.sem_alloc : memref<!tpu.dma_semaphore, #tpu.memory_space<semaphore_mem>>
      %dma_start3A = arith.constant 0 : i32
      %dma_start3A_881 = tpu.memref_slice %arg2[%dma_start3A, %mul3A_2] : memref<8x32768xf32, #tpu.memory_space<hbm>> -> memref<8x1024xf32, #tpu.memory_space<hbm>>
      %dma_start3A_882 = arith.constant 0 : i32
      %dma_start3A_883 = tpu.memref_slice %arg2[%dma_start3A_882, %mul3A_2] : memref<8x32768xf32, #tpu.memory_space<hbm>> -> memref<8x1024xf32, #tpu.memory_space<hbm>>
      tpu.enqueue_dma source(%dma_start3A_883 : memref<8x1024xf32, #tpu.memory_space<hbm>>) target(%arg6 : memref<8x1024xf32, #tpu.memory_space<vmem>>) target_semaphore(%run_scoped3A : memref<!tpu.dma_semaphore, #tpu.memory_space<semaphore_mem>>)
      %dma_wait3A = arith.constant 0 : i32
      %dma_wait3A_884 = tpu.memref_slice %arg2[%dma_wait3A, %mul3A_2] : memref<8x32768xf32, #tpu.memory_space<hbm>> -> memref<8x1024xf32, #tpu.memory_space<hbm>>
      %dma_wait3A_885 = arith.constant 0 : i32
      %dma_wait3A_886 = tpu.memref_slice %arg2[%dma_wait3A_885, %mul3A_2] : memref<8x32768xf32, #tpu.memory_space<hbm>> -> memref<8x1024xf32, #tpu.memory_space<hbm>>
      tpu.wait_dma2 semaphore(%run_scoped3A : memref<!tpu.dma_semaphore, #tpu.memory_space<semaphore_mem>>) src(%dma_wait3A_886 : memref<8x1024xf32, #tpu.memory_space<hbm>>) dst(%arg6 : memref<8x1024xf32, #tpu.memory_space<vmem>>)
      tpu.yield
    }) : () -> ()
    %iota3A = tpu.iota {dimensions = array<i32: 0>} : vector<16xi32>
    %broadcast_in_dim3A = arith.constant 0.000000e+00 : f32
    %broadcast_in_dim3A_3 = vector.broadcast %broadcast_in_dim3A : f32 to vector<16xf32>
    %broadcast_in_dim3A_4 = arith.constant 0.000000e+00 : f32
    %broadcast_in_dim3A_5 = vector.broadcast %broadcast_in_dim3A_4 : f32 to vector<16xf32>
    %broadcast_in_dim3A_6 = arith.constant 0.000000e+00 : f32
    %broadcast_in_dim3A_7 = vector.broadcast %broadcast_in_dim3A_6 : f32 to vector<16xf32>
    %broadcast_in_dim3A_8 = arith.constant 0.000000e+00 : f32
    %broadcast_in_dim3A_9 = vector.broadcast %broadcast_in_dim3A_8 : f32 to vector<16xf32>
    %broadcast_in_dim3A_10 = arith.constant 0.000000e+00 : f32
    %broadcast_in_dim3A_11 = vector.broadcast %broadcast_in_dim3A_10 : f32 to vector<16xf32>
    %broadcast_in_dim3A_12 = arith.constant 0.000000e+00 : f32
    %broadcast_in_dim3A_13 = vector.broadcast %broadcast_in_dim3A_12 : f32 to vector<16xf32>
    %broadcast_in_dim3A_14 = arith.constant 0.000000e+00 : f32
    %broadcast_in_dim3A_15 = vector.broadcast %broadcast_in_dim3A_14 : f32 to vector<16xf32>
    %broadcast_in_dim3A_16 = arith.constant 0.000000e+00 : f32
    %broadcast_in_dim3A_17 = vector.broadcast %broadcast_in_dim3A_16 : f32 to vector<16xf32>
    %broadcast_in_dim3A_18 = arith.constant 0.000000e+00 : f32
    %broadcast_in_dim3A_19 = vector.broadcast %broadcast_in_dim3A_18 : f32 to vector<16xf32>
    %broadcast_in_dim3A_20 = arith.constant 0.000000e+00 : f32
    %broadcast_in_dim3A_21 = vector.broadcast %broadcast_in_dim3A_20 : f32 to vector<16xf32>
    %broadcast_in_dim3A_22 = arith.constant 0.000000e+00 : f32
    %broadcast_in_dim3A_23 = vector.broadcast %broadcast_in_dim3A_22 : f32 to vector<16xf32>
    %broadcast_in_dim3A_24 = arith.constant 0.000000e+00 : f32
    %broadcast_in_dim3A_25 = vector.broadcast %broadcast_in_dim3A_24 : f32 to vector<16xf32>
    %broadcast_in_dim3A_26 = arith.constant 0.000000e+00 : f32
    %broadcast_in_dim3A_27 = vector.broadcast %broadcast_in_dim3A_26 : f32 to vector<16xf32>
    %broadcast_in_dim3A_28 = arith.constant 0.000000e+00 : f32
    %broadcast_in_dim3A_29 = vector.broadcast %broadcast_in_dim3A_28 : f32 to vector<16xf32>
    %broadcast_in_dim3A_30 = arith.constant 0.000000e+00 : f32
    %broadcast_in_dim3A_31 = vector.broadcast %broadcast_in_dim3A_30 : f32 to vector<16xf32>
    %broadcast_in_dim3A_32 = arith.constant 0.000000e+00 : f32
    %broadcast_in_dim3A_33 = vector.broadcast %broadcast_in_dim3A_32 : f32 to vector<16xf32>
    %scan3A = arith.constant -1.000000e+30 : f32
    %scan3A_34 = arith.constant 1.000000e+00 : f32
    %scan3A_35 = arith.constant 0.000000e+00 : f32
    %scan3A_36 = arith.constant 0 : i32
    %scan3A_37 = arith.constant 64 : i32
    %scan3A_38 = arith.addi %scan3A_36, %scan3A_37 : i32
    %scan3A_39 = arith.constant 1 : i32
    %scan3A_40:16 = scf.for %scan3A_881 = %scan3A_36 to %scan3A_38 step %scan3A_39 iter_args(%scan3A_882 = %broadcast_in_dim3A_3, %scan3A_883 = %broadcast_in_dim3A_5, %scan3A_884 = %broadcast_in_dim3A_7, %scan3A_885 = %broadcast_in_dim3A_9, %scan3A_886 = %broadcast_in_dim3A_11, %scan3A_887 = %broadcast_in_dim3A_13, %scan3A_888 = %broadcast_in_dim3A_15, %scan3A_889 = %broadcast_in_dim3A_17, %scan3A_890 = %broadcast_in_dim3A_19, %scan3A_891 = %broadcast_in_dim3A_21, %scan3A_892 = %broadcast_in_dim3A_23, %scan3A_893 = %broadcast_in_dim3A_25, %scan3A_894 = %broadcast_in_dim3A_27, %scan3A_895 = %broadcast_in_dim3A_29, %scan3A_896 = %broadcast_in_dim3A_31, %scan3A_897 = %broadcast_in_dim3A_33) -> (vector<16xf32>, vector<16xf32>, vector<16xf32>, vector<16xf32>, vector<16xf32>, vector<16xf32>, vector<16xf32>, vector<16xf32>, vector<16xf32>, vector<16xf32>, vector<16xf32>, vector<16xf32>, vector<16xf32>, vector<16xf32>, vector<16xf32>, vector<16xf32>)  : i32 {
      %mul3A_898 = arith.constant 16 : i32
      %mul3A_899 = arith.muli %scan3A_881, %mul3A_898 : i32
      %get3A = arith.constant 0 : i32
      %get3A_900 = arith.index_cast %get3A : i32 to index
      %get3A_901 = arith.index_cast %mul3A_899 : i32 to index
      %get3A_902 = tpu.vector_load %arg6[%get3A_900, %get3A_901] {strides = array<i32>} : memref<8x1024xf32, #tpu.memory_space<vmem>>, vector<1x16xf32>,
      %get3A_903 = vector.shape_cast %get3A_902 : vector<1x16xf32> to vector<16xf32>
      %get3A_904 = arith.constant 1 : i32
      %get3A_905 = arith.index_cast %get3A_904 : i32 to index
      %get3A_906 = arith.index_cast %mul3A_899 : i32 to index
      %get3A_907 = tpu.vector_load %arg6[%get3A_905, %get3A_906] {strides = array<i32>} : memref<8x1024xf32, #tpu.memory_space<vmem>>, vector<1x16xf32>,
      %get3A_908 = vector.shape_cast %get3A_907 : vector<1x16xf32> to vector<16xf32>
      %get3A_909 = arith.constant 2 : i32
      %get3A_910 = arith.index_cast %get3A_909 : i32 to index
      %get3A_911 = arith.index_cast %mul3A_899 : i32 to index
      %get3A_912 = tpu.vector_load %arg6[%get3A_910, %get3A_911] {strides = array<i32>} : memref<8x1024xf32, #tpu.memory_space<vmem>>, vector<1x16xf32>,
      %get3A_913 = vector.shape_cast %get3A_912 : vector<1x16xf32> to vector<16xf32>
      %get3A_914 = arith.constant 3 : i32
      %get3A_915 = arith.index_cast %get3A_914 : i32 to index
      %get3A_916 = arith.index_cast %mul3A_899 : i32 to index
      %get3A_917 = tpu.vector_load %arg6[%get3A_915, %get3A_916] {strides = array<i32>} : memref<8x1024xf32, #tpu.memory_space<vmem>>, vector<1x16xf32>,
      %get3A_918 = vector.shape_cast %get3A_917 : vector<1x16xf32> to vector<16xf32>
      %get3A_919 = arith.constant 4 : i32
      %get3A_920 = arith.index_cast %get3A_919 : i32 to index
      %get3A_921 = arith.index_cast %mul3A_899 : i32 to index
      %get3A_922 = tpu.vector_load %arg6[%get3A_920, %get3A_921] {strides = array<i32>} : memref<8x1024xf32, #tpu.memory_space<vmem>>, vector<1x16xf32>,
      %get3A_923 = vector.shape_cast %get3A_922 : vector<1x16xf32> to vector<16xf32>
      %get3A_924 = arith.constant 5 : i32
      %get3A_925 = arith.index_cast %get3A_924 : i32 to index
      %get3A_926 = arith.index_cast %mul3A_899 : i32 to index
      %get3A_927 = tpu.vector_load %arg6[%get3A_925, %get3A_926] {strides = array<i32>} : memref<8x1024xf32, #tpu.memory_space<vmem>>, vector<1x16xf32>,
      %get3A_928 = vector.shape_cast %get3A_927 : vector<1x16xf32> to vector<16xf32>
      %get3A_929 = arith.constant 6 : i32
      %get3A_930 = arith.index_cast %get3A_929 : i32 to index
      %get3A_931 = arith.index_cast %mul3A_899 : i32 to index
      %get3A_932 = tpu.vector_load %arg6[%get3A_930, %get3A_931] {strides = array<i32>} : memref<8x1024xf32, #tpu.memory_space<vmem>>, vector<1x16xf32>,
      %get3A_933 = vector.shape_cast %get3A_932 : vector<1x16xf32> to vector<16xf32>
      %get3A_934 = arith.constant 7 : i32
      %get3A_935 = arith.index_cast %get3A_934 : i32 to index
      %get3A_936 = arith.index_cast %mul3A_899 : i32 to index
      %get3A_937 = tpu.vector_load %arg6[%get3A_935, %get3A_936] {strides = array<i32>} : memref<8x1024xf32, #tpu.memory_space<vmem>>, vector<1x16xf32>,
      %get3A_938 = vector.shape_cast %get3A_937 : vector<1x16xf32> to vector<16xf32>
      %max3A = arith.maximumf %get3A_903, %get3A_908 : vector<16xf32>
      %max3A_939 = arith.maximumf %max3A, %get3A_913 : vector<16xf32>
      %max3A_940 = arith.maximumf %max3A_939, %get3A_918 : vector<16xf32>
      %max3A_941 = arith.maximumf %max3A_940, %get3A_923 : vector<16xf32>
      %max3A_942 = arith.maximumf %max3A_941, %get3A_928 : vector<16xf32>
      %max3A_943 = arith.maximumf %max3A_942, %get3A_933 : vector<16xf32>
      %max3A_944 = arith.maximumf %max3A_943, %get3A_938 : vector<16xf32>
      %broadcast_in_dim3A_945 = arith.constant 0 : i32
      %broadcast_in_dim3A_946 = vector.broadcast %broadcast_in_dim3A_945 : i32 to vector<16xi32>
      %eq3A_947 = arith.cmpf oeq, %get3A_938, %max3A_944 : vector<16xf32>
      %jit3A = arith.constant 7 : i32
      %broadcast_in_dim3A_948 = vector.broadcast %jit3A : i32 to vector<16xi32>
      %select_n3A_949 = arith.select %eq3A_947, %broadcast_in_dim3A_948, %broadcast_in_dim3A_946 : vector<16xi1>, vector<16xi32>
      %eq3A_950 = arith.cmpf oeq, %get3A_933, %max3A_944 : vector<16xf32>
      %jit3A_951 = arith.constant 6 : i32
      %broadcast_in_dim3A_952 = vector.broadcast %jit3A_951 : i32 to vector<16xi32>
      %select_n3A_953 = arith.select %eq3A_950, %broadcast_in_dim3A_952, %select_n3A_949 : vector<16xi1>, vector<16xi32>
      %eq3A_954 = arith.cmpf oeq, %get3A_928, %max3A_944 : vector<16xf32>
      %jit3A_955 = arith.constant 5 : i32
      %broadcast_in_dim3A_956 = vector.broadcast %jit3A_955 : i32 to vector<16xi32>
      %select_n3A_957 = arith.select %eq3A_954, %broadcast_in_dim3A_956, %select_n3A_953 : vector<16xi1>, vector<16xi32>
      %eq3A_958 = arith.cmpf oeq, %get3A_923, %max3A_944 : vector<16xf32>
      %jit3A_959 = arith.constant 4 : i32
      %broadcast_in_dim3A_960 = vector.broadcast %jit3A_959 : i32 to vector<16xi32>
      %select_n3A_961 = arith.select %eq3A_958, %broadcast_in_dim3A_960, %select_n3A_957 : vector<16xi1>, vector<16xi32>
      %eq3A_962 = arith.cmpf oeq, %get3A_918, %max3A_944 : vector<16xf32>
      %jit3A_963 = arith.constant 3 : i32
      %broadcast_in_dim3A_964 = vector.broadcast %jit3A_963 : i32 to vector<16xi32>
      %select_n3A_965 = arith.select %eq3A_962, %broadcast_in_dim3A_964, %select_n3A_961 : vector<16xi1>, vector<16xi32>
      %eq3A_966 = arith.cmpf oeq, %get3A_913, %max3A_944 : vector<16xf32>
      %jit3A_967 = arith.constant 2 : i32
      %broadcast_in_dim3A_968 = vector.broadcast %jit3A_967 : i32 to vector<16xi32>
      %select_n3A_969 = arith.select %eq3A_966, %broadcast_in_dim3A_968, %select_n3A_965 : vector<16xi1>, vector<16xi32>
      %eq3A_970 = arith.cmpf oeq, %get3A_908, %max3A_944 : vector<16xf32>
      %jit3A_971 = arith.constant 1 : i32
      %broadcast_in_dim3A_972 = vector.broadcast %jit3A_971 : i32 to vector<16xi32>
      %select_n3A_973 = arith.select %eq3A_970, %broadcast_in_dim3A_972, %select_n3A_969 : vector<16xi1>, vector<16xi32>
      %eq3A_974 = arith.cmpf oeq, %get3A_903, %max3A_944 : vector<16xf32>
      %jit3A_975 = arith.constant 0 : i32
      %broadcast_in_dim3A_976 = vector.broadcast %jit3A_975 : i32 to vector<16xi32>
      %select_n3A_977 = arith.select %eq3A_974, %broadcast_in_dim3A_976, %select_n3A_973 : vector<16xi1>, vector<16xi32>
      %broadcast_in_dim3A_978 = arith.constant 0.000000e+00 : f32
      %broadcast_in_dim3A_979 = vector.broadcast %broadcast_in_dim3A_978 : f32 to vector<16xf32>
      %add3A_980 = vector.broadcast %scan3A : f32 to vector<16xf32>
      %add3A_981 = arith.addf %broadcast_in_dim3A_979, %add3A_980 : vector<16xf32>
      %eq3A_982 = arith.constant 0 : i32
      %eq3A_983 = vector.broadcast %eq3A_982 : i32 to vector<16xi32>
      %eq3A_984 = arith.cmpi eq, %select_n3A_977, %eq3A_983 : vector<16xi32>
      %broadcast_in_dim3A_985 = vector.broadcast %scan3A : f32 to vector<16xf32>
      %select_n3A_986 = arith.select %eq3A_984, %broadcast_in_dim3A_985, %get3A_903 : vector<16xi1>, vector<16xf32>
      %max3A_987 = arith.maximumf %add3A_981, %select_n3A_986 : vector<16xf32>
      %eq3A_988 = arith.constant 1 : i32
      %eq3A_989 = vector.broadcast %eq3A_988 : i32 to vector<16xi32>
      %eq3A_990 = arith.cmpi eq, %select_n3A_977, %eq3A_989 : vector<16xi32>
      %broadcast_in_dim3A_991 = vector.broadcast %scan3A : f32 to vector<16xf32>
      %select_n3A_992 = arith.select %eq3A_990, %broadcast_in_dim3A_991, %get3A_908 : vector<16xi1>, vector<16xf32>
      %max3A_993 = arith.maximumf %max3A_987, %select_n3A_992 : vector<16xf32>
      %eq3A_994 = arith.constant 2 : i32
      %eq3A_995 = vector.broadcast %eq3A_994 : i32 to vector<16xi32>
      %eq3A_996 = arith.cmpi eq, %select_n3A_977, %eq3A_995 : vector<16xi32>
      %broadcast_in_dim3A_997 = vector.broadcast %scan3A : f32 to vector<16xf32>
      %select_n3A_998 = arith.select %eq3A_996, %broadcast_in_dim3A_997, %get3A_913 : vector<16xi1>, vector<16xf32>
      %max3A_999 = arith.maximumf %max3A_993, %select_n3A_998 : vector<16xf32>
      %eq3A_1000 = arith.constant 3 : i32
      %eq3A_1001 = vector.broadcast %eq3A_1000 : i32 to vector<16xi32>
      %eq3A_1002 = arith.cmpi eq, %select_n3A_977, %eq3A_1001 : vector<16xi32>
      %broadcast_in_dim3A_1003 = vector.broadcast %scan3A : f32 to vector<16xf32>
      %select_n3A_1004 = arith.select %eq3A_1002, %broadcast_in_dim3A_1003, %get3A_918 : vector<16xi1>, vector<16xf32>
      %max3A_1005 = arith.maximumf %max3A_999, %select_n3A_1004 : vector<16xf32>
      %eq3A_1006 = arith.constant 4 : i32
      %eq3A_1007 = vector.broadcast %eq3A_1006 : i32 to vector<16xi32>
      %eq3A_1008 = arith.cmpi eq, %select_n3A_977, %eq3A_1007 : vector<16xi32>
      %broadcast_in_dim3A_1009 = vector.broadcast %scan3A : f32 to vector<16xf32>
      %select_n3A_1010 = arith.select %eq3A_1008, %broadcast_in_dim3A_1009, %get3A_923 : vector<16xi1>, vector<16xf32>
      %max3A_1011 = arith.maximumf %max3A_1005, %select_n3A_1010 : vector<16xf32>
      %eq3A_1012 = arith.constant 5 : i32
      %eq3A_1013 = vector.broadcast %eq3A_1012 : i32 to vector<16xi32>
      %eq3A_1014 = arith.cmpi eq, %select_n3A_977, %eq3A_1013 : vector<16xi32>
      %broadcast_in_dim3A_1015 = vector.broadcast %scan3A : f32 to vector<16xf32>
      %select_n3A_1016 = arith.select %eq3A_1014, %broadcast_in_dim3A_1015, %get3A_928 : vector<16xi1>, vector<16xf32>
      %max3A_1017 = arith.maximumf %max3A_1011, %select_n3A_1016 : vector<16xf32>
      %eq3A_1018 = arith.constant 6 : i32
      %eq3A_1019 = vector.broadcast %eq3A_1018 : i32 to vector<16xi32>
      %eq3A_1020 = arith.cmpi eq, %select_n3A_977, %eq3A_1019 : vector<16xi32>
      %broadcast_in_dim3A_1021 = vector.broadcast %scan3A : f32 to vector<16xf32>
      %select_n3A_1022 = arith.select %eq3A_1020, %broadcast_in_dim3A_1021, %get3A_933 : vector<16xi1>, vector<16xf32>
      %max3A_1023 = arith.maximumf %max3A_1017, %select_n3A_1022 : vector<16xf32>
      %eq3A_1024 = arith.constant 7 : i32
      %eq3A_1025 = vector.broadcast %eq3A_1024 : i32 to vector<16xi32>
      %eq3A_1026 = arith.cmpi eq, %select_n3A_977, %eq3A_1025 : vector<16xi32>
      %broadcast_in_dim3A_1027 = vector.broadcast %scan3A : f32 to vector<16xf32>
      %select_n3A_1028 = arith.select %eq3A_1026, %broadcast_in_dim3A_1027, %get3A_938 : vector<16xi1>, vector<16xf32>
      %max3A_1029 = arith.maximumf %max3A_1023, %select_n3A_1028 : vector<16xf32>
      %broadcast_in_dim3A_1030 = arith.constant 0 : i32
      %broadcast_in_dim3A_1031 = vector.broadcast %broadcast_in_dim3A_1030 : i32 to vector<16xi32>
      %eq3A_1032 = arith.cmpf oeq, %get3A_938, %max3A_1029 : vector<16xf32>
      %ne3A = arith.constant 7 : i32
      %ne3A_1033 = vector.broadcast %ne3A : i32 to vector<16xi32>
      %ne3A_1034 = arith.cmpi ne, %select_n3A_977, %ne3A_1033 : vector<16xi32>
      %and3A = arith.andi %eq3A_1032, %ne3A_1034 : vector<16xi1>
      %jit3A_1035 = arith.constant 7 : i32
      %broadcast_in_dim3A_1036 = vector.broadcast %jit3A_1035 : i32 to vector<16xi32>
      %select_n3A_1037 = arith.select %and3A, %broadcast_in_dim3A_1036, %broadcast_in_dim3A_1031 : vector<16xi1>, vector<16xi32>
      %eq3A_1038 = arith.cmpf oeq, %get3A_933, %max3A_1029 : vector<16xf32>
      %ne3A_1039 = arith.constant 6 : i32
      %ne3A_1040 = vector.broadcast %ne3A_1039 : i32 to vector<16xi32>
      %ne3A_1041 = arith.cmpi ne, %select_n3A_977, %ne3A_1040 : vector<16xi32>
      %and3A_1042 = arith.andi %eq3A_1038, %ne3A_1041 : vector<16xi1>
      %jit3A_1043 = arith.constant 6 : i32
      %broadcast_in_dim3A_1044 = vector.broadcast %jit3A_1043 : i32 to vector<16xi32>
      %select_n3A_1045 = arith.select %and3A_1042, %broadcast_in_dim3A_1044, %select_n3A_1037 : vector<16xi1>, vector<16xi32>
      %eq3A_1046 = arith.cmpf oeq, %get3A_928, %max3A_1029 : vector<16xf32>
      %ne3A_1047 = arith.constant 5 : i32
      %ne3A_1048 = vector.broadcast %ne3A_1047 : i32 to vector<16xi32>
      %ne3A_1049 = arith.cmpi ne, %select_n3A_977, %ne3A_1048 : vector<16xi32>
      %and3A_1050 = arith.andi %eq3A_1046, %ne3A_1049 : vector<16xi1>
      %jit3A_1051 = arith.constant 5 : i32
      %broadcast_in_dim3A_1052 = vector.broadcast %jit3A_1051 : i32 to vector<16xi32>
      %select_n3A_1053 = arith.select %and3A_1050, %broadcast_in_dim3A_1052, %select_n3A_1045 : vector<16xi1>, vector<16xi32>
      %eq3A_1054 = arith.cmpf oeq, %get3A_923, %max3A_1029 : vector<16xf32>
      %ne3A_1055 = arith.constant 4 : i32
      %ne3A_1056 = vector.broadcast %ne3A_1055 : i32 to vector<16xi32>
      %ne3A_1057 = arith.cmpi ne, %select_n3A_977, %ne3A_1056 : vector<16xi32>
      %and3A_1058 = arith.andi %eq3A_1054, %ne3A_1057 : vector<16xi1>
      %jit3A_1059 = arith.constant 4 : i32
      %broadcast_in_dim3A_1060 = vector.broadcast %jit3A_1059 : i32 to vector<16xi32>
      %select_n3A_1061 = arith.select %and3A_1058, %broadcast_in_dim3A_1060, %select_n3A_1053 : vector<16xi1>, vector<16xi32>
      %eq3A_1062 = arith.cmpf oeq, %get3A_918, %max3A_1029 : vector<16xf32>
      %ne3A_1063 = arith.constant 3 : i32
      %ne3A_1064 = vector.broadcast %ne3A_1063 : i32 to vector<16xi32>
      %ne3A_1065 = arith.cmpi ne, %select_n3A_977, %ne3A_1064 : vector<16xi32>
      %and3A_1066 = arith.andi %eq3A_1062, %ne3A_1065 : vector<16xi1>
      %jit3A_1067 = arith.constant 3 : i32
      %broadcast_in_dim3A_1068 = vector.broadcast %jit3A_1067 : i32 to vector<16xi32>
      %select_n3A_1069 = arith.select %and3A_1066, %broadcast_in_dim3A_1068, %select_n3A_1061 : vector<16xi1>, vector<16xi32>
      %eq3A_1070 = arith.cmpf oeq, %get3A_913, %max3A_1029 : vector<16xf32>
      %ne3A_1071 = arith.constant 2 : i32
      %ne3A_1072 = vector.broadcast %ne3A_1071 : i32 to vector<16xi32>
      %ne3A_1073 = arith.cmpi ne, %select_n3A_977, %ne3A_1072 : vector<16xi32>
      %and3A_1074 = arith.andi %eq3A_1070, %ne3A_1073 : vector<16xi1>
      %jit3A_1075 = arith.constant 2 : i32
      %broadcast_in_dim3A_1076 = vector.broadcast %jit3A_1075 : i32 to vector<16xi32>
      %select_n3A_1077 = arith.select %and3A_1074, %broadcast_in_dim3A_1076, %select_n3A_1069 : vector<16xi1>, vector<16xi32>
      %eq3A_1078 = arith.cmpf oeq, %get3A_908, %max3A_1029 : vector<16xf32>
      %ne3A_1079 = arith.constant 1 : i32
      %ne3A_1080 = vector.broadcast %ne3A_1079 : i32 to vector<16xi32>
      %ne3A_1081 = arith.cmpi ne, %select_n3A_977, %ne3A_1080 : vector<16xi32>
      %and3A_1082 = arith.andi %eq3A_1078, %ne3A_1081 : vector<16xi1>
      %jit3A_1083 = arith.constant 1 : i32
      %broadcast_in_dim3A_1084 = vector.broadcast %jit3A_1083 : i32 to vector<16xi32>
      %select_n3A_1085 = arith.select %and3A_1082, %broadcast_in_dim3A_1084, %select_n3A_1077 : vector<16xi1>, vector<16xi32>
      %eq3A_1086 = arith.cmpf oeq, %get3A_903, %max3A_1029 : vector<16xf32>
      %ne3A_1087 = arith.constant 0 : i32
      %ne3A_1088 = vector.broadcast %ne3A_1087 : i32 to vector<16xi32>
      %ne3A_1089 = arith.cmpi ne, %select_n3A_977, %ne3A_1088 : vector<16xi32>
      %and3A_1090 = arith.andi %eq3A_1086, %ne3A_1089 : vector<16xi1>
      %jit3A_1091 = arith.constant 0 : i32
      %broadcast_in_dim3A_1092 = vector.broadcast %jit3A_1091 : i32 to vector<16xi32>
      %select_n3A_1093 = arith.select %and3A_1090, %broadcast_in_dim3A_1092, %select_n3A_1085 : vector<16xi1>, vector<16xi32>
      %sub3A = arith.subf %get3A_903, %max3A_944 : vector<16xf32>
      %exp3A = math.exp %sub3A : vector<16xf32>
      %sub3A_1094 = arith.subf %get3A_908, %max3A_944 : vector<16xf32>
      %exp3A_1095 = math.exp %sub3A_1094 : vector<16xf32>
      %sub3A_1096 = arith.subf %get3A_913, %max3A_944 : vector<16xf32>
      %exp3A_1097 = math.exp %sub3A_1096 : vector<16xf32>
      %sub3A_1098 = arith.subf %get3A_918, %max3A_944 : vector<16xf32>
      %exp3A_1099 = math.exp %sub3A_1098 : vector<16xf32>
      %sub3A_1100 = arith.subf %get3A_923, %max3A_944 : vector<16xf32>
      %exp3A_1101 = math.exp %sub3A_1100 : vector<16xf32>
      %sub3A_1102 = arith.subf %get3A_928, %max3A_944 : vector<16xf32>
      %exp3A_1103 = math.exp %sub3A_1102 : vector<16xf32>
      %sub3A_1104 = arith.subf %get3A_933, %max3A_944 : vector<16xf32>
      %exp3A_1105 = math.exp %sub3A_1104 : vector<16xf32>
      %sub3A_1106 = arith.subf %get3A_938, %max3A_944 : vector<16xf32>
      %exp3A_1107 = math.exp %sub3A_1106 : vector<16xf32>
      %add3A_1108 = arith.addf %exp3A, %exp3A_1095 : vector<16xf32>
      %add3A_1109 = arith.addf %add3A_1108, %exp3A_1097 : vector<16xf32>
      %add3A_1110 = arith.addf %add3A_1109, %exp3A_1099 : vector<16xf32>
      %add3A_1111 = arith.addf %add3A_1110, %exp3A_1101 : vector<16xf32>
      %add3A_1112 = arith.addf %add3A_1111, %exp3A_1103 : vector<16xf32>
      %add3A_1113 = arith.addf %add3A_1112, %exp3A_1105 : vector<16xf32>
      %add3A_1114 = arith.addf %add3A_1113, %exp3A_1107 : vector<16xf32>
      %div3A = vector.broadcast %scan3A_34 : f32 to vector<16xf32>
      %div3A_1115 = arith.divf %div3A, %add3A_1114 : vector<16xf32>
      %sub3A_1116 = arith.subf %max3A_1029, %max3A_944 : vector<16xf32>
      %exp3A_1117 = math.exp %sub3A_1116 : vector<16xf32>
      %mul3A_1118 = arith.mulf %exp3A_1117, %div3A_1115 : vector<16xf32>
      %eq3A_1119 = arith.constant 0 : i32
      %eq3A_1120 = vector.broadcast %eq3A_1119 : i32 to vector<16xi32>
      %eq3A_1121 = arith.cmpi eq, %select_n3A_977, %eq3A_1120 : vector<16xi32>
      %broadcast_in_dim3A_1122 = vector.broadcast %scan3A_34 : f32 to vector<16xf32>
      %broadcast_in_dim3A_1123 = vector.broadcast %scan3A_35 : f32 to vector<16xf32>
      %select_n3A_1124 = arith.select %eq3A_1121, %broadcast_in_dim3A_1122, %broadcast_in_dim3A_1123 : vector<16xi1>, vector<16xf32>
      %eq3A_1125 = arith.constant 0 : i32
      %eq3A_1126 = vector.broadcast %eq3A_1125 : i32 to vector<16xi32>
      %eq3A_1127 = arith.cmpi eq, %select_n3A_1093, %eq3A_1126 : vector<16xi32>
      %broadcast_in_dim3A_1128 = vector.broadcast %scan3A_34 : f32 to vector<16xf32>
      %broadcast_in_dim3A_1129 = vector.broadcast %scan3A_35 : f32 to vector<16xf32>
      %select_n3A_1130 = arith.select %eq3A_1127, %broadcast_in_dim3A_1128, %broadcast_in_dim3A_1129 : vector<16xi1>, vector<16xf32>
      %add3A_1131 = arith.addf %select_n3A_1124, %select_n3A_1130 : vector<16xf32>
      %add3A_1132 = arith.addf %scan3A_882, %add3A_1131 : vector<16xf32>
      %mul3A_1133 = arith.mulf %exp3A, %div3A_1115 : vector<16xf32>
      %add3A_1134 = arith.addf %scan3A_890, %mul3A_1133 : vector<16xf32>
      %eq3A_1135 = arith.constant 1 : i32
      %eq3A_1136 = vector.broadcast %eq3A_1135 : i32 to vector<16xi32>
      %eq3A_1137 = arith.cmpi eq, %select_n3A_977, %eq3A_1136 : vector<16xi32>
      %broadcast_in_dim3A_1138 = vector.broadcast %scan3A_34 : f32 to vector<16xf32>
      %broadcast_in_dim3A_1139 = vector.broadcast %scan3A_35 : f32 to vector<16xf32>
      %select_n3A_1140 = arith.select %eq3A_1137, %broadcast_in_dim3A_1138, %broadcast_in_dim3A_1139 : vector<16xi1>, vector<16xf32>
      %eq3A_1141 = arith.constant 1 : i32
      %eq3A_1142 = vector.broadcast %eq3A_1141 : i32 to vector<16xi32>
      %eq3A_1143 = arith.cmpi eq, %select_n3A_1093, %eq3A_1142 : vector<16xi32>
      %broadcast_in_dim3A_1144 = vector.broadcast %scan3A_34 : f32 to vector<16xf32>
      %broadcast_in_dim3A_1145 = vector.broadcast %scan3A_35 : f32 to vector<16xf32>
      %select_n3A_1146 = arith.select %eq3A_1143, %broadcast_in_dim3A_1144, %broadcast_in_dim3A_1145 : vector<16xi1>, vector<16xf32>
      %add3A_1147 = arith.addf %select_n3A_1140, %select_n3A_1146 : vector<16xf32>
      %add3A_1148 = arith.addf %scan3A_883, %add3A_1147 : vector<16xf32>
      %mul3A_1149 = arith.mulf %exp3A_1095, %div3A_1115 : vector<16xf32>
      %add3A_1150 = arith.addf %scan3A_891, %mul3A_1149 : vector<16xf32>
      %eq3A_1151 = arith.constant 2 : i32
      %eq3A_1152 = vector.broadcast %eq3A_1151 : i32 to vector<16xi32>
      %eq3A_1153 = arith.cmpi eq, %select_n3A_977, %eq3A_1152 : vector<16xi32>
      %broadcast_in_dim3A_1154 = vector.broadcast %scan3A_34 : f32 to vector<16xf32>
      %broadcast_in_dim3A_1155 = vector.broadcast %scan3A_35 : f32 to vector<16xf32>
      %select_n3A_1156 = arith.select %eq3A_1153, %broadcast_in_dim3A_1154, %broadcast_in_dim3A_1155 : vector<16xi1>, vector<16xf32>
      %eq3A_1157 = arith.constant 2 : i32
      %eq3A_1158 = vector.broadcast %eq3A_1157 : i32 to vector<16xi32>
      %eq3A_1159 = arith.cmpi eq, %select_n3A_1093, %eq3A_1158 : vector<16xi32>
      %broadcast_in_dim3A_1160 = vector.broadcast %scan3A_34 : f32 to vector<16xf32>
      %broadcast_in_dim3A_1161 = vector.broadcast %scan3A_35 : f32 to vector<16xf32>
      %select_n3A_1162 = arith.select %eq3A_1159, %broadcast_in_dim3A_1160, %broadcast_in_dim3A_1161 : vector<16xi1>, vector<16xf32>
      %add3A_1163 = arith.addf %select_n3A_1156, %select_n3A_1162 : vector<16xf32>
      %add3A_1164 = arith.addf %scan3A_884, %add3A_1163 : vector<16xf32>
      %mul3A_1165 = arith.mulf %exp3A_1097, %div3A_1115 : vector<16xf32>
      %add3A_1166 = arith.addf %scan3A_892, %mul3A_1165 : vector<16xf32>
      %eq3A_1167 = arith.constant 3 : i32
      %eq3A_1168 = vector.broadcast %eq3A_1167 : i32 to vector<16xi32>
      %eq3A_1169 = arith.cmpi eq, %select_n3A_977, %eq3A_1168 : vector<16xi32>
      %broadcast_in_dim3A_1170 = vector.broadcast %scan3A_34 : f32 to vector<16xf32>
      %broadcast_in_dim3A_1171 = vector.broadcast %scan3A_35 : f32 to vector<16xf32>
      %select_n3A_1172 = arith.select %eq3A_1169, %broadcast_in_dim3A_1170, %broadcast_in_dim3A_1171 : vector<16xi1>, vector<16xf32>
      %eq3A_1173 = arith.constant 3 : i32
      %eq3A_1174 = vector.broadcast %eq3A_1173 : i32 to vector<16xi32>
      %eq3A_1175 = arith.cmpi eq, %select_n3A_1093, %eq3A_1174 : vector<16xi32>
      %broadcast_in_dim3A_1176 = vector.broadcast %scan3A_34 : f32 to vector<16xf32>
      %broadcast_in_dim3A_1177 = vector.broadcast %scan3A_35 : f32 to vector<16xf32>
      %select_n3A_1178 = arith.select %eq3A_1175, %broadcast_in_dim3A_1176, %broadcast_in_dim3A_1177 : vector<16xi1>, vector<16xf32>
      %add3A_1179 = arith.addf %select_n3A_1172, %select_n3A_1178 : vector<16xf32>
      %add3A_1180 = arith.addf %scan3A_885, %add3A_1179 : vector<16xf32>
      %mul3A_1181 = arith.mulf %exp3A_1099, %div3A_1115 : vector<16xf32>
      %add3A_1182 = arith.addf %scan3A_893, %mul3A_1181 : vector<16xf32>
      %eq3A_1183 = arith.constant 4 : i32
      %eq3A_1184 = vector.broadcast %eq3A_1183 : i32 to vector<16xi32>
      %eq3A_1185 = arith.cmpi eq, %select_n3A_977, %eq3A_1184 : vector<16xi32>
      %broadcast_in_dim3A_1186 = vector.broadcast %scan3A_34 : f32 to vector<16xf32>
      %broadcast_in_dim3A_1187 = vector.broadcast %scan3A_35 : f32 to vector<16xf32>
      %select_n3A_1188 = arith.select %eq3A_1185, %broadcast_in_dim3A_1186, %broadcast_in_dim3A_1187 : vector<16xi1>, vector<16xf32>
      %eq3A_1189 = arith.constant 4 : i32
      %eq3A_1190 = vector.broadcast %eq3A_1189 : i32 to vector<16xi32>
      %eq3A_1191 = arith.cmpi eq, %select_n3A_1093, %eq3A_1190 : vector<16xi32>
      %broadcast_in_dim3A_1192 = vector.broadcast %scan3A_34 : f32 to vector<16xf32>
      %broadcast_in_dim3A_1193 = vector.broadcast %scan3A_35 : f32 to vector<16xf32>
      %select_n3A_1194 = arith.select %eq3A_1191, %broadcast_in_dim3A_1192, %broadcast_in_dim3A_1193 : vector<16xi1>, vector<16xf32>
      %add3A_1195 = arith.addf %select_n3A_1188, %select_n3A_1194 : vector<16xf32>
      %add3A_1196 = arith.addf %scan3A_886, %add3A_1195 : vector<16xf32>
      %mul3A_1197 = arith.mulf %exp3A_1101, %div3A_1115 : vector<16xf32>
      %add3A_1198 = arith.addf %scan3A_894, %mul3A_1197 : vector<16xf32>
      %eq3A_1199 = arith.constant 5 : i32
      %eq3A_1200 = vector.broadcast %eq3A_1199 : i32 to vector<16xi32>
      %eq3A_1201 = arith.cmpi eq, %select_n3A_977, %eq3A_1200 : vector<16xi32>
      %broadcast_in_dim3A_1202 = vector.broadcast %scan3A_34 : f32 to vector<16xf32>
      %broadcast_in_dim3A_1203 = vector.broadcast %scan3A_35 : f32 to vector<16xf32>
      %select_n3A_1204 = arith.select %eq3A_1201, %broadcast_in_dim3A_1202, %broadcast_in_dim3A_1203 : vector<16xi1>, vector<16xf32>
      %eq3A_1205 = arith.constant 5 : i32
      %eq3A_1206 = vector.broadcast %eq3A_1205 : i32 to vector<16xi32>
      %eq3A_1207 = arith.cmpi eq, %select_n3A_1093, %eq3A_1206 : vector<16xi32>
      %broadcast_in_dim3A_1208 = vector.broadcast %scan3A_34 : f32 to vector<16xf32>
      %broadcast_in_dim3A_1209 = vector.broadcast %scan3A_35 : f32 to vector<16xf32>
      %select_n3A_1210 = arith.select %eq3A_1207, %broadcast_in_dim3A_1208, %broadcast_in_dim3A_1209 : vector<16xi1>, vector<16xf32>
      %add3A_1211 = arith.addf %select_n3A_1204, %select_n3A_1210 : vector<16xf32>
      %add3A_1212 = arith.addf %scan3A_887, %add3A_1211 : vector<16xf32>
      %mul3A_1213 = arith.mulf %exp3A_1103, %div3A_1115 : vector<16xf32>
      %add3A_1214 = arith.addf %scan3A_895, %mul3A_1213 : vector<16xf32>
      %eq3A_1215 = arith.constant 6 : i32
      %eq3A_1216 = vector.broadcast %eq3A_1215 : i32 to vector<16xi32>
      %eq3A_1217 = arith.cmpi eq, %select_n3A_977, %eq3A_1216 : vector<16xi32>
      %broadcast_in_dim3A_1218 = vector.broadcast %scan3A_34 : f32 to vector<16xf32>
      %broadcast_in_dim3A_1219 = vector.broadcast %scan3A_35 : f32 to vector<16xf32>
      %select_n3A_1220 = arith.select %eq3A_1217, %broadcast_in_dim3A_1218, %broadcast_in_dim3A_1219 : vector<16xi1>, vector<16xf32>
      %eq3A_1221 = arith.constant 6 : i32
      %eq3A_1222 = vector.broadcast %eq3A_1221 : i32 to vector<16xi32>
      %eq3A_1223 = arith.cmpi eq, %select_n3A_1093, %eq3A_1222 : vector<16xi32>
      %broadcast_in_dim3A_1224 = vector.broadcast %scan3A_34 : f32 to vector<16xf32>
      %broadcast_in_dim3A_1225 = vector.broadcast %scan3A_35 : f32 to vector<16xf32>
      %select_n3A_1226 = arith.select %eq3A_1223, %broadcast_in_dim3A_1224, %broadcast_in_dim3A_1225 : vector<16xi1>, vector<16xf32>
      %add3A_1227 = arith.addf %select_n3A_1220, %select_n3A_1226 : vector<16xf32>
      %add3A_1228 = arith.addf %scan3A_888, %add3A_1227 : vector<16xf32>
      %mul3A_1229 = arith.mulf %exp3A_1105, %div3A_1115 : vector<16xf32>
      %add3A_1230 = arith.addf %scan3A_896, %mul3A_1229 : vector<16xf32>
      %eq3A_1231 = arith.constant 7 : i32
      %eq3A_1232 = vector.broadcast %eq3A_1231 : i32 to vector<16xi32>
      %eq3A_1233 = arith.cmpi eq, %select_n3A_977, %eq3A_1232 : vector<16xi32>
      %broadcast_in_dim3A_1234 = vector.broadcast %scan3A_34 : f32 to vector<16xf32>
      %broadcast_in_dim3A_1235 = vector.broadcast %scan3A_35 : f32 to vector<16xf32>
      %select_n3A_1236 = arith.select %eq3A_1233, %broadcast_in_dim3A_1234, %broadcast_in_dim3A_1235 : vector<16xi1>, vector<16xf32>
      %eq3A_1237 = arith.constant 7 : i32
      %eq3A_1238 = vector.broadcast %eq3A_1237 : i32 to vector<16xi32>
      %eq3A_1239 = arith.cmpi eq, %select_n3A_1093, %eq3A_1238 : vector<16xi32>
      %broadcast_in_dim3A_1240 = vector.broadcast %scan3A_34 : f32 to vector<16xf32>
      %broadcast_in_dim3A_1241 = vector.broadcast %scan3A_35 : f32 to vector<16xf32>
      %select_n3A_1242 = arith.select %eq3A_1239, %broadcast_in_dim3A_1240, %broadcast_in_dim3A_1241 : vector<16xi1>, vector<16xf32>
      %add3A_1243 = arith.addf %select_n3A_1236, %select_n3A_1242 : vector<16xf32>
      %add3A_1244 = arith.addf %scan3A_889, %add3A_1243 : vector<16xf32>
      %mul3A_1245 = arith.mulf %exp3A_1107, %div3A_1115 : vector<16xf32>
      %add3A_1246 = arith.addf %scan3A_897, %mul3A_1245 : vector<16xf32>
      %swap3A_1247 = arith.constant 0 : i32
      %swap3A_1248 = arith.index_cast %swap3A_1247 : i32 to index
      %swap3A_1249 = arith.index_cast %mul3A_899 : i32 to index
      %swap3A_1250 = tpu.vector_load %arg7[%swap3A_1248, %swap3A_1249] {strides = array<i32>} : memref<2x1024xf32, #tpu.memory_space<vmem>>, vector<1x16xf32>,
      %swap3A_1251 = vector.shape_cast %swap3A_1250 : vector<1x16xf32> to vector<16xf32>
      %swap3A_1252 = vector.shape_cast %div3A_1115 : vector<16xf32> to vector<1x16xf32>
      tpu.vector_store %arg7[%swap3A_1248, %swap3A_1249], %swap3A_1252 {strides = array<i32>} : memref<2x1024xf32, #tpu.memory_space<vmem>>, vector<1x16xf32>,
      %swap3A_1253 = arith.constant 1 : i32
      %swap3A_1254 = arith.index_cast %swap3A_1253 : i32 to index
      %swap3A_1255 = arith.index_cast %mul3A_899 : i32 to index
      %swap3A_1256 = tpu.vector_load %arg7[%swap3A_1254, %swap3A_1255] {strides = array<i32>} : memref<2x1024xf32, #tpu.memory_space<vmem>>, vector<1x16xf32>,
      %swap3A_1257 = vector.shape_cast %swap3A_1256 : vector<1x16xf32> to vector<16xf32>
      %swap3A_1258 = vector.shape_cast %mul3A_1118 : vector<16xf32> to vector<1x16xf32>
      tpu.vector_store %arg7[%swap3A_1254, %swap3A_1255], %swap3A_1258 {strides = array<i32>} : memref<2x1024xf32, #tpu.memory_space<vmem>>, vector<1x16xf32>,
      %swap3A_1259 = arith.constant 0 : i32
      %swap3A_1260 = arith.index_cast %swap3A_1259 : i32 to index
      %swap3A_1261 = arith.index_cast %mul3A_899 : i32 to index
      %swap3A_1262 = tpu.vector_load %arg8[%swap3A_1260, %swap3A_1261] {strides = array<i32>} : memref<2x1024xi32, #tpu.memory_space<vmem>>, vector<1x16xi32>,
      %swap3A_1263 = vector.shape_cast %swap3A_1262 : vector<1x16xi32> to vector<16xi32>
      %swap3A_1264 = vector.shape_cast %select_n3A_977 : vector<16xi32> to vector<1x16xi32>
      tpu.vector_store %arg8[%swap3A_1260, %swap3A_1261], %swap3A_1264 {strides = array<i32>} : memref<2x1024xi32, #tpu.memory_space<vmem>>, vector<1x16xi32>,
      %swap3A_1265 = arith.constant 1 : i32
      %swap3A_1266 = arith.index_cast %swap3A_1265 : i32 to index
      %swap3A_1267 = arith.index_cast %mul3A_899 : i32 to index
      %swap3A_1268 = tpu.vector_load %arg8[%swap3A_1266, %swap3A_1267] {strides = array<i32>} : memref<2x1024xi32, #tpu.memory_space<vmem>>, vector<1x16xi32>,
      %swap3A_1269 = vector.shape_cast %swap3A_1268 : vector<1x16xi32> to vector<16xi32>
      %swap3A_1270 = vector.shape_cast %select_n3A_1093 : vector<16xi32> to vector<1x16xi32>
      tpu.vector_store %arg8[%swap3A_1266, %swap3A_1267], %swap3A_1270 {strides = array<i32>} : memref<2x1024xi32, #tpu.memory_space<vmem>>, vector<1x16xi32>,
      scf.yield %add3A_1132, %add3A_1148, %add3A_1164, %add3A_1180, %add3A_1196, %add3A_1212, %add3A_1228, %add3A_1244, %add3A_1134, %add3A_1150, %add3A_1166, %add3A_1182, %add3A_1198, %add3A_1214, %add3A_1230, %add3A_1246 : vector<16xf32>, vector<16xf32>, vector<16xf32>, vector<16xf32>, vector<16xf32>, vector<16xf32>, vector<16xf32>, vector<16xf32>, vector<16xf32>, vector<16xf32>, vector<16xf32>, vector<16xf32>, vector<16xf32>, vector<16xf32>, vector<16xf32>, vector<16xf32>
    }
    %scan3A_41 = arith.constant 64 : i32
    "tpu.region"() ({
      %run_scoped3A = tpu.sem_alloc : memref<!tpu.dma_semaphore, #tpu.memory_space<semaphore_mem>>
      %dma_start3A = arith.constant 0 : i32
      %dma_start3A_881 = arith.constant 0 : i32
      %dma_start3A_882 = tpu.memref_slice %arg3[%add3A, %dma_start3A, %dma_start3A_881] : memref<32x2x1024xf32, #tpu.memory_space<hbm>> -> memref<1x2x1024xf32, #tpu.memory_space<hbm>>
      %dma_start3A_883 = tpu.memref_squeeze %dma_start3A_882 : memref<1x2x1024xf32, #tpu.memory_space<hbm>> -> memref<2x1024xf32, #tpu.memory_space<hbm>>
      %dma_start3A_884 = arith.constant 0 : i32
      %dma_start3A_885 = arith.constant 0 : i32
      %dma_start3A_886 = tpu.memref_slice %arg3[%add3A, %dma_start3A_884, %dma_start3A_885] : memref<32x2x1024xf32, #tpu.memory_space<hbm>> -> memref<1x2x1024xf32, #tpu.memory_space<hbm>>
      %dma_start3A_887 = tpu.memref_squeeze %dma_start3A_886 : memref<1x2x1024xf32, #tpu.memory_space<hbm>> -> memref<2x1024xf32, #tpu.memory_space<hbm>>
      tpu.enqueue_dma source(%arg7 : memref<2x1024xf32, #tpu.memory_space<vmem>>) target(%dma_start3A_887 : memref<2x1024xf32, #tpu.memory_space<hbm>>) target_semaphore(%run_scoped3A : memref<!tpu.dma_semaphore, #tpu.memory_space<semaphore_mem>>)
      %dma_wait3A = arith.constant 0 : i32
      %dma_wait3A_888 = arith.constant 0 : i32
      %dma_wait3A_889 = tpu.memref_slice %arg3[%add3A, %dma_wait3A, %dma_wait3A_888] : memref<32x2x1024xf32, #tpu.memory_space<hbm>> -> memref<1x2x1024xf32, #tpu.memory_space<hbm>>
      %dma_wait3A_890 = tpu.memref_squeeze %dma_wait3A_889 : memref<1x2x1024xf32, #tpu.memory_space<hbm>> -> memref<2x1024xf32, #tpu.memory_space<hbm>>
      %dma_wait3A_891 = arith.constant 0 : i32
      %dma_wait3A_892 = arith.constant 0 : i32
      %dma_wait3A_893 = tpu.memref_slice %arg3[%add3A, %dma_wait3A_891, %dma_wait3A_892] : memref<32x2x1024xf32, #tpu.memory_space<hbm>> -> memref<1x2x1024xf32, #tpu.memory_space<hbm>>
      %dma_wait3A_894 = tpu.memref_squeeze %dma_wait3A_893 : memref<1x2x1024xf32, #tpu.memory_space<hbm>> -> memref<2x1024xf32, #tpu.memory_space<hbm>>
      tpu.wait_dma2 semaphore(%run_scoped3A : memref<!tpu.dma_semaphore, #tpu.memory_space<semaphore_mem>>) src(%arg7 : memref<2x1024xf32, #tpu.memory_space<vmem>>) dst(%dma_wait3A_894 : memref<2x1024xf32, #tpu.memory_space<hbm>>)
      tpu.yield
    }) : () -> ()
    "tpu.region"() ({
      %run_scoped3A = tpu.sem_alloc : memref<!tpu.dma_semaphore, #tpu.memory_space<semaphore_mem>>
      %dma_start3A = arith.constant 0 : i32
      %dma_start3A_881 = arith.constant 0 : i32
      %dma_start3A_882 = tpu.memref_slice %arg4[%add3A, %dma_start3A, %dma_start3A_881] : memref<32x2x1024xi32, #tpu.memory_space<hbm>> -> memref<1x2x1024xi32, #tpu.memory_space<hbm>>
      %dma_start3A_883 = tpu.memref_squeeze %dma_start3A_882 : memref<1x2x1024xi32, #tpu.memory_space<hbm>> -> memref<2x1024xi32, #tpu.memory_space<hbm>>
      %dma_start3A_884 = arith.constant 0 : i32
      %dma_start3A_885 = arith.constant 0 : i32
      %dma_start3A_886 = tpu.memref_slice %arg4[%add3A, %dma_start3A_884, %dma_start3A_885] : memref<32x2x1024xi32, #tpu.memory_space<hbm>> -> memref<1x2x1024xi32, #tpu.memory_space<hbm>>
      %dma_start3A_887 = tpu.memref_squeeze %dma_start3A_886 : memref<1x2x1024xi32, #tpu.memory_space<hbm>> -> memref<2x1024xi32, #tpu.memory_space<hbm>>
      tpu.enqueue_dma source(%arg8 : memref<2x1024xi32, #tpu.memory_space<vmem>>) target(%dma_start3A_887 : memref<2x1024xi32, #tpu.memory_space<hbm>>) target_semaphore(%run_scoped3A : memref<!tpu.dma_semaphore, #tpu.memory_space<semaphore_mem>>)
      %dma_wait3A = arith.constant 0 : i32
      %dma_wait3A_888 = arith.constant 0 : i32
      %dma_wait3A_889 = tpu.memref_slice %arg4[%add3A, %dma_wait3A, %dma_wait3A_888] : memref<32x2x1024xi32, #tpu.memory_space<hbm>> -> memref<1x2x1024xi32, #tpu.memory_space<hbm>>
      %dma_wait3A_890 = tpu.memref_squeeze %dma_wait3A_889 : memref<1x2x1024xi32, #tpu.memory_space<hbm>> -> memref<2x1024xi32, #tpu.memory_space<hbm>>
      %dma_wait3A_891 = arith.constant 0 : i32
      %dma_wait3A_892 = arith.constant 0 : i32
      %dma_wait3A_893 = tpu.memref_slice %arg4[%add3A, %dma_wait3A_891, %dma_wait3A_892] : memref<32x2x1024xi32, #tpu.memory_space<hbm>> -> memref<1x2x1024xi32, #tpu.memory_space<hbm>>
      %dma_wait3A_894 = tpu.memref_squeeze %dma_wait3A_893 : memref<1x2x1024xi32, #tpu.memory_space<hbm>> -> memref<2x1024xi32, #tpu.memory_space<hbm>>
      tpu.wait_dma2 semaphore(%run_scoped3A : memref<!tpu.dma_semaphore, #tpu.memory_space<semaphore_mem>>) src(%arg8 : memref<2x1024xi32, #tpu.memory_space<vmem>>) dst(%dma_wait3A_894 : memref<2x1024xi32, #tpu.memory_space<hbm>>)
      tpu.yield
    }) : () -> ()
    %broadcast_in_dim3A_42 = arith.constant 0.000000e+00 : f32
    %broadcast_in_dim3A_43 = vector.broadcast %broadcast_in_dim3A_42 : f32 to vector<16xf32>
    %broadcast_in_dim3A_44 = arith.constant 0.000000e+00 : f32
    %broadcast_in_dim3A_45 = vector.broadcast %broadcast_in_dim3A_44 : f32 to vector<16xf32>
    %eq3A = arith.constant 0 : i32
    %eq3A_46 = vector.broadcast %eq3A : i32 to vector<16xi32>
    %eq3A_47 = arith.cmpi eq, %iota3A, %eq3A_46 : vector<16xi32>
    %slice3A = vector.extract_strided_slice %scan3A_40#0 {offsets = [0], sizes = [1], strides = [1]} : vector<16xf32> to vector<1xf32>
    %squeeze3A = vector.extract %slice3A[0] : f32 from vector<1xf32>
    %slice3A_48 = vector.extract_strided_slice %scan3A_40#0 {offsets = [1], sizes = [1], strides = [1]} : vector<16xf32> to vector<1xf32>
    %squeeze3A_49 = vector.extract %slice3A_48[0] : f32 from vector<1xf32>
    %add3A_50 = arith.addf %squeeze3A, %squeeze3A_49 : f32
    %slice3A_51 = vector.extract_strided_slice %scan3A_40#0 {offsets = [2], sizes = [1], strides = [1]} : vector<16xf32> to vector<1xf32>
    %squeeze3A_52 = vector.extract %slice3A_51[0] : f32 from vector<1xf32>
    %add3A_53 = arith.addf %add3A_50, %squeeze3A_52 : f32
    %slice3A_54 = vector.extract_strided_slice %scan3A_40#0 {offsets = [3], sizes = [1], strides = [1]} : vector<16xf32> to vector<1xf32>
    %squeeze3A_55 = vector.extract %slice3A_54[0] : f32 from vector<1xf32>
    %add3A_56 = arith.addf %add3A_53, %squeeze3A_55 : f32
    %slice3A_57 = vector.extract_strided_slice %scan3A_40#0 {offsets = [4], sizes = [1], strides = [1]} : vector<16xf32> to vector<1xf32>
    %squeeze3A_58 = vector.extract %slice3A_57[0] : f32 from vector<1xf32>
    %add3A_59 = arith.addf %add3A_56, %squeeze3A_58 : f32
    %slice3A_60 = vector.extract_strided_slice %scan3A_40#0 {offsets = [5], sizes = [1], strides = [1]} : vector<16xf32> to vector<1xf32>
    %squeeze3A_61 = vector.extract %slice3A_60[0] : f32 from vector<1xf32>
    %add3A_62 = arith.addf %add3A_59, %squeeze3A_61 : f32
    %slice3A_63 = vector.extract_strided_slice %scan3A_40#0 {offsets = [6], sizes = [1], strides = [1]} : vector<16xf32> to vector<1xf32>
    %squeeze3A_64 = vector.extract %slice3A_63[0] : f32 from vector<1xf32>
    %add3A_65 = arith.addf %add3A_62, %squeeze3A_64 : f32
    %slice3A_66 = vector.extract_strided_slice %scan3A_40#0 {offsets = [7], sizes = [1], strides = [1]} : vector<16xf32> to vector<1xf32>
    %squeeze3A_67 = vector.extract %slice3A_66[0] : f32 from vector<1xf32>
    %add3A_68 = arith.addf %add3A_65, %squeeze3A_67 : f32
    %slice3A_69 = vector.extract_strided_slice %scan3A_40#0 {offsets = [8], sizes = [1], strides = [1]} : vector<16xf32> to vector<1xf32>
    %squeeze3A_70 = vector.extract %slice3A_69[0] : f32 from vector<1xf32>
    %add3A_71 = arith.addf %add3A_68, %squeeze3A_70 : f32
    %slice3A_72 = vector.extract_strided_slice %scan3A_40#0 {offsets = [9], sizes = [1], strides = [1]} : vector<16xf32> to vector<1xf32>
    %squeeze3A_73 = vector.extract %slice3A_72[0] : f32 from vector<1xf32>
    %add3A_74 = arith.addf %add3A_71, %squeeze3A_73 : f32
    %slice3A_75 = vector.extract_strided_slice %scan3A_40#0 {offsets = [10], sizes = [1], strides = [1]} : vector<16xf32> to vector<1xf32>
    %squeeze3A_76 = vector.extract %slice3A_75[0] : f32 from vector<1xf32>
    %add3A_77 = arith.addf %add3A_74, %squeeze3A_76 : f32
    %slice3A_78 = vector.extract_strided_slice %scan3A_40#0 {offsets = [11], sizes = [1], strides = [1]} : vector<16xf32> to vector<1xf32>
    %squeeze3A_79 = vector.extract %slice3A_78[0] : f32 from vector<1xf32>
    %add3A_80 = arith.addf %add3A_77, %squeeze3A_79 : f32
    %slice3A_81 = vector.extract_strided_slice %scan3A_40#0 {offsets = [12], sizes = [1], strides = [1]} : vector<16xf32> to vector<1xf32>
    %squeeze3A_82 = vector.extract %slice3A_81[0] : f32 from vector<1xf32>
    %add3A_83 = arith.addf %add3A_80, %squeeze3A_82 : f32
    %slice3A_84 = vector.extract_strided_slice %scan3A_40#0 {offsets = [13], sizes = [1], strides = [1]} : vector<16xf32> to vector<1xf32>
    %squeeze3A_85 = vector.extract %slice3A_84[0] : f32 from vector<1xf32>
    %add3A_86 = arith.addf %add3A_83, %squeeze3A_85 : f32
    %slice3A_87 = vector.extract_strided_slice %scan3A_40#0 {offsets = [14], sizes = [1], strides = [1]} : vector<16xf32> to vector<1xf32>
    %squeeze3A_88 = vector.extract %slice3A_87[0] : f32 from vector<1xf32>
    %add3A_89 = arith.addf %add3A_86, %squeeze3A_88 : f32
    %slice3A_90 = vector.extract_strided_slice %scan3A_40#0 {offsets = [15], sizes = [1], strides = [1]} : vector<16xf32> to vector<1xf32>
    %squeeze3A_91 = vector.extract %slice3A_90[0] : f32 from vector<1xf32>
    %add3A_92 = arith.addf %add3A_89, %squeeze3A_91 : f32
    %broadcast_in_dim3A_93 = vector.broadcast %add3A_92 : f32 to vector<16xf32>
    %select_n3A = arith.select %eq3A_47, %broadcast_in_dim3A_93, %broadcast_in_dim3A_43 : vector<16xi1>, vector<16xf32>
    %eq3A_94 = arith.constant 0 : i32
    %eq3A_95 = vector.broadcast %eq3A_94 : i32 to vector<16xi32>
    %eq3A_96 = arith.cmpi eq, %iota3A, %eq3A_95 : vector<16xi32>
    %slice3A_97 = vector.extract_strided_slice %scan3A_40#8 {offsets = [0], sizes = [1], strides = [1]} : vector<16xf32> to vector<1xf32>
    %squeeze3A_98 = vector.extract %slice3A_97[0] : f32 from vector<1xf32>
    %slice3A_99 = vector.extract_strided_slice %scan3A_40#8 {offsets = [1], sizes = [1], strides = [1]} : vector<16xf32> to vector<1xf32>
    %squeeze3A_100 = vector.extract %slice3A_99[0] : f32 from vector<1xf32>
    %add3A_101 = arith.addf %squeeze3A_98, %squeeze3A_100 : f32
    %slice3A_102 = vector.extract_strided_slice %scan3A_40#8 {offsets = [2], sizes = [1], strides = [1]} : vector<16xf32> to vector<1xf32>
    %squeeze3A_103 = vector.extract %slice3A_102[0] : f32 from vector<1xf32>
    %add3A_104 = arith.addf %add3A_101, %squeeze3A_103 : f32
    %slice3A_105 = vector.extract_strided_slice %scan3A_40#8 {offsets = [3], sizes = [1], strides = [1]} : vector<16xf32> to vector<1xf32>
    %squeeze3A_106 = vector.extract %slice3A_105[0] : f32 from vector<1xf32>
    %add3A_107 = arith.addf %add3A_104, %squeeze3A_106 : f32
    %slice3A_108 = vector.extract_strided_slice %scan3A_40#8 {offsets = [4], sizes = [1], strides = [1]} : vector<16xf32> to vector<1xf32>
    %squeeze3A_109 = vector.extract %slice3A_108[0] : f32 from vector<1xf32>
    %add3A_110 = arith.addf %add3A_107, %squeeze3A_109 : f32
    %slice3A_111 = vector.extract_strided_slice %scan3A_40#8 {offsets = [5], sizes = [1], strides = [1]} : vector<16xf32> to vector<1xf32>
    %squeeze3A_112 = vector.extract %slice3A_111[0] : f32 from vector<1xf32>
    %add3A_113 = arith.addf %add3A_110, %squeeze3A_112 : f32
    %slice3A_114 = vector.extract_strided_slice %scan3A_40#8 {offsets = [6], sizes = [1], strides = [1]} : vector<16xf32> to vector<1xf32>
    %squeeze3A_115 = vector.extract %slice3A_114[0] : f32 from vector<1xf32>
    %add3A_116 = arith.addf %add3A_113, %squeeze3A_115 : f32
    %slice3A_117 = vector.extract_strided_slice %scan3A_40#8 {offsets = [7], sizes = [1], strides = [1]} : vector<16xf32> to vector<1xf32>
    %squeeze3A_118 = vector.extract %slice3A_117[0] : f32 from vector<1xf32>
    %add3A_119 = arith.addf %add3A_116, %squeeze3A_118 : f32
    %slice3A_120 = vector.extract_strided_slice %scan3A_40#8 {offsets = [8], sizes = [1], strides = [1]} : vector<16xf32> to vector<1xf32>
    %squeeze3A_121 = vector.extract %slice3A_120[0] : f32 from vector<1xf32>
    %add3A_122 = arith.addf %add3A_119, %squeeze3A_121 : f32
    %slice3A_123 = vector.extract_strided_slice %scan3A_40#8 {offsets = [9], sizes = [1], strides = [1]} : vector<16xf32> to vector<1xf32>
    %squeeze3A_124 = vector.extract %slice3A_123[0] : f32 from vector<1xf32>
    %add3A_125 = arith.addf %add3A_122, %squeeze3A_124 : f32
    %slice3A_126 = vector.extract_strided_slice %scan3A_40#8 {offsets = [10], sizes = [1], strides = [1]} : vector<16xf32> to vector<1xf32>
    %squeeze3A_127 = vector.extract %slice3A_126[0] : f32 from vector<1xf32>
    %add3A_128 = arith.addf %add3A_125, %squeeze3A_127 : f32
    %slice3A_129 = vector.extract_strided_slice %scan3A_40#8 {offsets = [11], sizes = [1], strides = [1]} : vector<16xf32> to vector<1xf32>
    %squeeze3A_130 = vector.extract %slice3A_129[0] : f32 from vector<1xf32>
    %add3A_131 = arith.addf %add3A_128, %squeeze3A_130 : f32
    %slice3A_132 = vector.extract_strided_slice %scan3A_40#8 {offsets = [12], sizes = [1], strides = [1]} : vector<16xf32> to vector<1xf32>
    %squeeze3A_133 = vector.extract %slice3A_132[0] : f32 from vector<1xf32>
    %add3A_134 = arith.addf %add3A_131, %squeeze3A_133 : f32
    %slice3A_135 = vector.extract_strided_slice %scan3A_40#8 {offsets = [13], sizes = [1], strides = [1]} : vector<16xf32> to vector<1xf32>
    %squeeze3A_136 = vector.extract %slice3A_135[0] : f32 from vector<1xf32>
    %add3A_137 = arith.addf %add3A_134, %squeeze3A_136 : f32
    %slice3A_138 = vector.extract_strided_slice %scan3A_40#8 {offsets = [14], sizes = [1], strides = [1]} : vector<16xf32> to vector<1xf32>
    %squeeze3A_139 = vector.extract %slice3A_138[0] : f32 from vector<1xf32>
    %add3A_140 = arith.addf %add3A_137, %squeeze3A_139 : f32
    %slice3A_141 = vector.extract_strided_slice %scan3A_40#8 {offsets = [15], sizes = [1], strides = [1]} : vector<16xf32> to vector<1xf32>
    %squeeze3A_142 = vector.extract %slice3A_141[0] : f32 from vector<1xf32>
    %add3A_143 = arith.addf %add3A_140, %squeeze3A_142 : f32
    %broadcast_in_dim3A_144 = vector.broadcast %add3A_143 : f32 to vector<16xf32>
    %select_n3A_145 = arith.select %eq3A_96, %broadcast_in_dim3A_144, %broadcast_in_dim3A_45 : vector<16xi1>, vector<16xf32>
    %eq3A_146 = arith.constant 1 : i32
    %eq3A_147 = vector.broadcast %eq3A_146 : i32 to vector<16xi32>
    %eq3A_148 = arith.cmpi eq, %iota3A, %eq3A_147 : vector<16xi32>
    %slice3A_149 = vector.extract_strided_slice %scan3A_40#1 {offsets = [0], sizes = [1], strides = [1]} : vector<16xf32> to vector<1xf32>
    %squeeze3A_150 = vector.extract %slice3A_149[0] : f32 from vector<1xf32>
    %slice3A_151 = vector.extract_strided_slice %scan3A_40#1 {offsets = [1], sizes = [1], strides = [1]} : vector<16xf32> to vector<1xf32>
    %squeeze3A_152 = vector.extract %slice3A_151[0] : f32 from vector<1xf32>
    %add3A_153 = arith.addf %squeeze3A_150, %squeeze3A_152 : f32
    %slice3A_154 = vector.extract_strided_slice %scan3A_40#1 {offsets = [2], sizes = [1], strides = [1]} : vector<16xf32> to vector<1xf32>
    %squeeze3A_155 = vector.extract %slice3A_154[0] : f32 from vector<1xf32>
    %add3A_156 = arith.addf %add3A_153, %squeeze3A_155 : f32
    %slice3A_157 = vector.extract_strided_slice %scan3A_40#1 {offsets = [3], sizes = [1], strides = [1]} : vector<16xf32> to vector<1xf32>
    %squeeze3A_158 = vector.extract %slice3A_157[0] : f32 from vector<1xf32>
    %add3A_159 = arith.addf %add3A_156, %squeeze3A_158 : f32
    %slice3A_160 = vector.extract_strided_slice %scan3A_40#1 {offsets = [4], sizes = [1], strides = [1]} : vector<16xf32> to vector<1xf32>
    %squeeze3A_161 = vector.extract %slice3A_160[0] : f32 from vector<1xf32>
    %add3A_162 = arith.addf %add3A_159, %squeeze3A_161 : f32
    %slice3A_163 = vector.extract_strided_slice %scan3A_40#1 {offsets = [5], sizes = [1], strides = [1]} : vector<16xf32> to vector<1xf32>
    %squeeze3A_164 = vector.extract %slice3A_163[0] : f32 from vector<1xf32>
    %add3A_165 = arith.addf %add3A_162, %squeeze3A_164 : f32
    %slice3A_166 = vector.extract_strided_slice %scan3A_40#1 {offsets = [6], sizes = [1], strides = [1]} : vector<16xf32> to vector<1xf32>
    %squeeze3A_167 = vector.extract %slice3A_166[0] : f32 from vector<1xf32>
    %add3A_168 = arith.addf %add3A_165, %squeeze3A_167 : f32
    %slice3A_169 = vector.extract_strided_slice %scan3A_40#1 {offsets = [7], sizes = [1], strides = [1]} : vector<16xf32> to vector<1xf32>
    %squeeze3A_170 = vector.extract %slice3A_169[0] : f32 from vector<1xf32>
    %add3A_171 = arith.addf %add3A_168, %squeeze3A_170 : f32
    %slice3A_172 = vector.extract_strided_slice %scan3A_40#1 {offsets = [8], sizes = [1], strides = [1]} : vector<16xf32> to vector<1xf32>
    %squeeze3A_173 = vector.extract %slice3A_172[0] : f32 from vector<1xf32>
    %add3A_174 = arith.addf %add3A_171, %squeeze3A_173 : f32
    %slice3A_175 = vector.extract_strided_slice %scan3A_40#1 {offsets = [9], sizes = [1], strides = [1]} : vector<16xf32> to vector<1xf32>
    %squeeze3A_176 = vector.extract %slice3A_175[0] : f32 from vector<1xf32>
    %add3A_177 = arith.addf %add3A_174, %squeeze3A_176 : f32
    %slice3A_178 = vector.extract_strided_slice %scan3A_40#1 {offsets = [10], sizes = [1], strides = [1]} : vector<16xf32> to vector<1xf32>
    %squeeze3A_179 = vector.extract %slice3A_178[0] : f32 from vector<1xf32>
    %add3A_180 = arith.addf %add3A_177, %squeeze3A_179 : f32
    %slice3A_181 = vector.extract_strided_slice %scan3A_40#1 {offsets = [11], sizes = [1], strides = [1]} : vector<16xf32> to vector<1xf32>
    %squeeze3A_182 = vector.extract %slice3A_181[0] : f32 from vector<1xf32>
    %add3A_183 = arith.addf %add3A_180, %squeeze3A_182 : f32
    %slice3A_184 = vector.extract_strided_slice %scan3A_40#1 {offsets = [12], sizes = [1], strides = [1]} : vector<16xf32> to vector<1xf32>
    %squeeze3A_185 = vector.extract %slice3A_184[0] : f32 from vector<1xf32>
    %add3A_186 = arith.addf %add3A_183, %squeeze3A_185 : f32
    %slice3A_187 = vector.extract_strided_slice %scan3A_40#1 {offsets = [13], sizes = [1], strides = [1]} : vector<16xf32> to vector<1xf32>
    %squeeze3A_188 = vector.extract %slice3A_187[0] : f32 from vector<1xf32>
    %add3A_189 = arith.addf %add3A_186, %squeeze3A_188 : f32
    %slice3A_190 = vector.extract_strided_slice %scan3A_40#1 {offsets = [14], sizes = [1], strides = [1]} : vector<16xf32> to vector<1xf32>
    %squeeze3A_191 = vector.extract %slice3A_190[0] : f32 from vector<1xf32>
    %add3A_192 = arith.addf %add3A_189, %squeeze3A_191 : f32
    %slice3A_193 = vector.extract_strided_slice %scan3A_40#1 {offsets = [15], sizes = [1], strides = [1]} : vector<16xf32> to vector<1xf32>
    %squeeze3A_194 = vector.extract %slice3A_193[0] : f32 from vector<1xf32>
    %add3A_195 = arith.addf %add3A_192, %squeeze3A_194 : f32
    %broadcast_in_dim3A_196 = vector.broadcast %add3A_195 : f32 to vector<16xf32>
    %select_n3A_197 = arith.select %eq3A_148, %broadcast_in_dim3A_196, %select_n3A : vector<16xi1>, vector<16xf32>
    %eq3A_198 = arith.constant 1 : i32
    %eq3A_199 = vector.broadcast %eq3A_198 : i32 to vector<16xi32>
    %eq3A_200 = arith.cmpi eq, %iota3A, %eq3A_199 : vector<16xi32>
    %slice3A_201 = vector.extract_strided_slice %scan3A_40#9 {offsets = [0], sizes = [1], strides = [1]} : vector<16xf32> to vector<1xf32>
    %squeeze3A_202 = vector.extract %slice3A_201[0] : f32 from vector<1xf32>
    %slice3A_203 = vector.extract_strided_slice %scan3A_40#9 {offsets = [1], sizes = [1], strides = [1]} : vector<16xf32> to vector<1xf32>
    %squeeze3A_204 = vector.extract %slice3A_203[0] : f32 from vector<1xf32>
    %add3A_205 = arith.addf %squeeze3A_202, %squeeze3A_204 : f32
    %slice3A_206 = vector.extract_strided_slice %scan3A_40#9 {offsets = [2], sizes = [1], strides = [1]} : vector<16xf32> to vector<1xf32>
    %squeeze3A_207 = vector.extract %slice3A_206[0] : f32 from vector<1xf32>
    %add3A_208 = arith.addf %add3A_205, %squeeze3A_207 : f32
    %slice3A_209 = vector.extract_strided_slice %scan3A_40#9 {offsets = [3], sizes = [1], strides = [1]} : vector<16xf32> to vector<1xf32>
    %squeeze3A_210 = vector.extract %slice3A_209[0] : f32 from vector<1xf32>
    %add3A_211 = arith.addf %add3A_208, %squeeze3A_210 : f32
    %slice3A_212 = vector.extract_strided_slice %scan3A_40#9 {offsets = [4], sizes = [1], strides = [1]} : vector<16xf32> to vector<1xf32>
    %squeeze3A_213 = vector.extract %slice3A_212[0] : f32 from vector<1xf32>
    %add3A_214 = arith.addf %add3A_211, %squeeze3A_213 : f32
    %slice3A_215 = vector.extract_strided_slice %scan3A_40#9 {offsets = [5], sizes = [1], strides = [1]} : vector<16xf32> to vector<1xf32>
    %squeeze3A_216 = vector.extract %slice3A_215[0] : f32 from vector<1xf32>
    %add3A_217 = arith.addf %add3A_214, %squeeze3A_216 : f32
    %slice3A_218 = vector.extract_strided_slice %scan3A_40#9 {offsets = [6], sizes = [1], strides = [1]} : vector<16xf32> to vector<1xf32>
    %squeeze3A_219 = vector.extract %slice3A_218[0] : f32 from vector<1xf32>
    %add3A_220 = arith.addf %add3A_217, %squeeze3A_219 : f32
    %slice3A_221 = vector.extract_strided_slice %scan3A_40#9 {offsets = [7], sizes = [1], strides = [1]} : vector<16xf32> to vector<1xf32>
    %squeeze3A_222 = vector.extract %slice3A_221[0] : f32 from vector<1xf32>
    %add3A_223 = arith.addf %add3A_220, %squeeze3A_222 : f32
    %slice3A_224 = vector.extract_strided_slice %scan3A_40#9 {offsets = [8], sizes = [1], strides = [1]} : vector<16xf32> to vector<1xf32>
    %squeeze3A_225 = vector.extract %slice3A_224[0] : f32 from vector<1xf32>
    %add3A_226 = arith.addf %add3A_223, %squeeze3A_225 : f32
    %slice3A_227 = vector.extract_strided_slice %scan3A_40#9 {offsets = [9], sizes = [1], strides = [1]} : vector<16xf32> to vector<1xf32>
    %squeeze3A_228 = vector.extract %slice3A_227[0] : f32 from vector<1xf32>
    %add3A_229 = arith.addf %add3A_226, %squeeze3A_228 : f32
    %slice3A_230 = vector.extract_strided_slice %scan3A_40#9 {offsets = [10], sizes = [1], strides = [1]} : vector<16xf32> to vector<1xf32>
    %squeeze3A_231 = vector.extract %slice3A_230[0] : f32 from vector<1xf32>
    %add3A_232 = arith.addf %add3A_229, %squeeze3A_231 : f32
    %slice3A_233 = vector.extract_strided_slice %scan3A_40#9 {offsets = [11], sizes = [1], strides = [1]} : vector<16xf32> to vector<1xf32>
    %squeeze3A_234 = vector.extract %slice3A_233[0] : f32 from vector<1xf32>
    %add3A_235 = arith.addf %add3A_232, %squeeze3A_234 : f32
    %slice3A_236 = vector.extract_strided_slice %scan3A_40#9 {offsets = [12], sizes = [1], strides = [1]} : vector<16xf32> to vector<1xf32>
    %squeeze3A_237 = vector.extract %slice3A_236[0] : f32 from vector<1xf32>
    %add3A_238 = arith.addf %add3A_235, %squeeze3A_237 : f32
    %slice3A_239 = vector.extract_strided_slice %scan3A_40#9 {offsets = [13], sizes = [1], strides = [1]} : vector<16xf32> to vector<1xf32>
    %squeeze3A_240 = vector.extract %slice3A_239[0] : f32 from vector<1xf32>
    %add3A_241 = arith.addf %add3A_238, %squeeze3A_240 : f32
    %slice3A_242 = vector.extract_strided_slice %scan3A_40#9 {offsets = [14], sizes = [1], strides = [1]} : vector<16xf32> to vector<1xf32>
    %squeeze3A_243 = vector.extract %slice3A_242[0] : f32 from vector<1xf32>
    %add3A_244 = arith.addf %add3A_241, %squeeze3A_243 : f32
    %slice3A_245 = vector.extract_strided_slice %scan3A_40#9 {offsets = [15], sizes = [1], strides = [1]} : vector<16xf32> to vector<1xf32>
    %squeeze3A_246 = vector.extract %slice3A_245[0] : f32 from vector<1xf32>
    %add3A_247 = arith.addf %add3A_244, %squeeze3A_246 : f32
    %broadcast_in_dim3A_248 = vector.broadcast %add3A_247 : f32 to vector<16xf32>
    %select_n3A_249 = arith.select %eq3A_200, %broadcast_in_dim3A_248, %select_n3A_145 : vector<16xi1>, vector<16xf32>
    %eq3A_250 = arith.constant 2 : i32
    %eq3A_251 = vector.broadcast %eq3A_250 : i32 to vector<16xi32>
    %eq3A_252 = arith.cmpi eq, %iota3A, %eq3A_251 : vector<16xi32>
    %slice3A_253 = vector.extract_strided_slice %scan3A_40#2 {offsets = [0], sizes = [1], strides = [1]} : vector<16xf32> to vector<1xf32>
    %squeeze3A_254 = vector.extract %slice3A_253[0] : f32 from vector<1xf32>
    %slice3A_255 = vector.extract_strided_slice %scan3A_40#2 {offsets = [1], sizes = [1], strides = [1]} : vector<16xf32> to vector<1xf32>
    %squeeze3A_256 = vector.extract %slice3A_255[0] : f32 from vector<1xf32>
    %add3A_257 = arith.addf %squeeze3A_254, %squeeze3A_256 : f32
    %slice3A_258 = vector.extract_strided_slice %scan3A_40#2 {offsets = [2], sizes = [1], strides = [1]} : vector<16xf32> to vector<1xf32>
    %squeeze3A_259 = vector.extract %slice3A_258[0] : f32 from vector<1xf32>
    %add3A_260 = arith.addf %add3A_257, %squeeze3A_259 : f32
    %slice3A_261 = vector.extract_strided_slice %scan3A_40#2 {offsets = [3], sizes = [1], strides = [1]} : vector<16xf32> to vector<1xf32>
    %squeeze3A_262 = vector.extract %slice3A_261[0] : f32 from vector<1xf32>
    %add3A_263 = arith.addf %add3A_260, %squeeze3A_262 : f32
    %slice3A_264 = vector.extract_strided_slice %scan3A_40#2 {offsets = [4], sizes = [1], strides = [1]} : vector<16xf32> to vector<1xf32>
    %squeeze3A_265 = vector.extract %slice3A_264[0] : f32 from vector<1xf32>
    %add3A_266 = arith.addf %add3A_263, %squeeze3A_265 : f32
    %slice3A_267 = vector.extract_strided_slice %scan3A_40#2 {offsets = [5], sizes = [1], strides = [1]} : vector<16xf32> to vector<1xf32>
    %squeeze3A_268 = vector.extract %slice3A_267[0] : f32 from vector<1xf32>
    %add3A_269 = arith.addf %add3A_266, %squeeze3A_268 : f32
    %slice3A_270 = vector.extract_strided_slice %scan3A_40#2 {offsets = [6], sizes = [1], strides = [1]} : vector<16xf32> to vector<1xf32>
    %squeeze3A_271 = vector.extract %slice3A_270[0] : f32 from vector<1xf32>
    %add3A_272 = arith.addf %add3A_269, %squeeze3A_271 : f32
    %slice3A_273 = vector.extract_strided_slice %scan3A_40#2 {offsets = [7], sizes = [1], strides = [1]} : vector<16xf32> to vector<1xf32>
    %squeeze3A_274 = vector.extract %slice3A_273[0] : f32 from vector<1xf32>
    %add3A_275 = arith.addf %add3A_272, %squeeze3A_274 : f32
    %slice3A_276 = vector.extract_strided_slice %scan3A_40#2 {offsets = [8], sizes = [1], strides = [1]} : vector<16xf32> to vector<1xf32>
    %squeeze3A_277 = vector.extract %slice3A_276[0] : f32 from vector<1xf32>
    %add3A_278 = arith.addf %add3A_275, %squeeze3A_277 : f32
    %slice3A_279 = vector.extract_strided_slice %scan3A_40#2 {offsets = [9], sizes = [1], strides = [1]} : vector<16xf32> to vector<1xf32>
    %squeeze3A_280 = vector.extract %slice3A_279[0] : f32 from vector<1xf32>
    %add3A_281 = arith.addf %add3A_278, %squeeze3A_280 : f32
    %slice3A_282 = vector.extract_strided_slice %scan3A_40#2 {offsets = [10], sizes = [1], strides = [1]} : vector<16xf32> to vector<1xf32>
    %squeeze3A_283 = vector.extract %slice3A_282[0] : f32 from vector<1xf32>
    %add3A_284 = arith.addf %add3A_281, %squeeze3A_283 : f32
    %slice3A_285 = vector.extract_strided_slice %scan3A_40#2 {offsets = [11], sizes = [1], strides = [1]} : vector<16xf32> to vector<1xf32>
    %squeeze3A_286 = vector.extract %slice3A_285[0] : f32 from vector<1xf32>
    %add3A_287 = arith.addf %add3A_284, %squeeze3A_286 : f32
    %slice3A_288 = vector.extract_strided_slice %scan3A_40#2 {offsets = [12], sizes = [1], strides = [1]} : vector<16xf32> to vector<1xf32>
    %squeeze3A_289 = vector.extract %slice3A_288[0] : f32 from vector<1xf32>
    %add3A_290 = arith.addf %add3A_287, %squeeze3A_289 : f32
    %slice3A_291 = vector.extract_strided_slice %scan3A_40#2 {offsets = [13], sizes = [1], strides = [1]} : vector<16xf32> to vector<1xf32>
    %squeeze3A_292 = vector.extract %slice3A_291[0] : f32 from vector<1xf32>
    %add3A_293 = arith.addf %add3A_290, %squeeze3A_292 : f32
    %slice3A_294 = vector.extract_strided_slice %scan3A_40#2 {offsets = [14], sizes = [1], strides = [1]} : vector<16xf32> to vector<1xf32>
    %squeeze3A_295 = vector.extract %slice3A_294[0] : f32 from vector<1xf32>
    %add3A_296 = arith.addf %add3A_293, %squeeze3A_295 : f32
    %slice3A_297 = vector.extract_strided_slice %scan3A_40#2 {offsets = [15], sizes = [1], strides = [1]} : vector<16xf32> to vector<1xf32>
    %squeeze3A_298 = vector.extract %slice3A_297[0] : f32 from vector<1xf32>
    %add3A_299 = arith.addf %add3A_296, %squeeze3A_298 : f32
    %broadcast_in_dim3A_300 = vector.broadcast %add3A_299 : f32 to vector<16xf32>
    %select_n3A_301 = arith.select %eq3A_252, %broadcast_in_dim3A_300, %select_n3A_197 : vector<16xi1>, vector<16xf32>
    %eq3A_302 = arith.constant 2 : i32
    %eq3A_303 = vector.broadcast %eq3A_302 : i32 to vector<16xi32>
    %eq3A_304 = arith.cmpi eq, %iota3A, %eq3A_303 : vector<16xi32>
    %slice3A_305 = vector.extract_strided_slice %scan3A_40#10 {offsets = [0], sizes = [1], strides = [1]} : vector<16xf32> to vector<1xf32>
    %squeeze3A_306 = vector.extract %slice3A_305[0] : f32 from vector<1xf32>
    %slice3A_307 = vector.extract_strided_slice %scan3A_40#10 {offsets = [1], sizes = [1], strides = [1]} : vector<16xf32> to vector<1xf32>
    %squeeze3A_308 = vector.extract %slice3A_307[0] : f32 from vector<1xf32>
    %add3A_309 = arith.addf %squeeze3A_306, %squeeze3A_308 : f32
    %slice3A_310 = vector.extract_strided_slice %scan3A_40#10 {offsets = [2], sizes = [1], strides = [1]} : vector<16xf32> to vector<1xf32>
    %squeeze3A_311 = vector.extract %slice3A_310[0] : f32 from vector<1xf32>
    %add3A_312 = arith.addf %add3A_309, %squeeze3A_311 : f32
    %slice3A_313 = vector.extract_strided_slice %scan3A_40#10 {offsets = [3], sizes = [1], strides = [1]} : vector<16xf32> to vector<1xf32>
    %squeeze3A_314 = vector.extract %slice3A_313[0] : f32 from vector<1xf32>
    %add3A_315 = arith.addf %add3A_312, %squeeze3A_314 : f32
    %slice3A_316 = vector.extract_strided_slice %scan3A_40#10 {offsets = [4], sizes = [1], strides = [1]} : vector<16xf32> to vector<1xf32>
    %squeeze3A_317 = vector.extract %slice3A_316[0] : f32 from vector<1xf32>
    %add3A_318 = arith.addf %add3A_315, %squeeze3A_317 : f32
    %slice3A_319 = vector.extract_strided_slice %scan3A_40#10 {offsets = [5], sizes = [1], strides = [1]} : vector<16xf32> to vector<1xf32>
    %squeeze3A_320 = vector.extract %slice3A_319[0] : f32 from vector<1xf32>
    %add3A_321 = arith.addf %add3A_318, %squeeze3A_320 : f32
    %slice3A_322 = vector.extract_strided_slice %scan3A_40#10 {offsets = [6], sizes = [1], strides = [1]} : vector<16xf32> to vector<1xf32>
    %squeeze3A_323 = vector.extract %slice3A_322[0] : f32 from vector<1xf32>
    %add3A_324 = arith.addf %add3A_321, %squeeze3A_323 : f32
    %slice3A_325 = vector.extract_strided_slice %scan3A_40#10 {offsets = [7], sizes = [1], strides = [1]} : vector<16xf32> to vector<1xf32>
    %squeeze3A_326 = vector.extract %slice3A_325[0] : f32 from vector<1xf32>
    %add3A_327 = arith.addf %add3A_324, %squeeze3A_326 : f32
    %slice3A_328 = vector.extract_strided_slice %scan3A_40#10 {offsets = [8], sizes = [1], strides = [1]} : vector<16xf32> to vector<1xf32>
    %squeeze3A_329 = vector.extract %slice3A_328[0] : f32 from vector<1xf32>
    %add3A_330 = arith.addf %add3A_327, %squeeze3A_329 : f32
    %slice3A_331 = vector.extract_strided_slice %scan3A_40#10 {offsets = [9], sizes = [1], strides = [1]} : vector<16xf32> to vector<1xf32>
    %squeeze3A_332 = vector.extract %slice3A_331[0] : f32 from vector<1xf32>
    %add3A_333 = arith.addf %add3A_330, %squeeze3A_332 : f32
    %slice3A_334 = vector.extract_strided_slice %scan3A_40#10 {offsets = [10], sizes = [1], strides = [1]} : vector<16xf32> to vector<1xf32>
    %squeeze3A_335 = vector.extract %slice3A_334[0] : f32 from vector<1xf32>
    %add3A_336 = arith.addf %add3A_333, %squeeze3A_335 : f32
    %slice3A_337 = vector.extract_strided_slice %scan3A_40#10 {offsets = [11], sizes = [1], strides = [1]} : vector<16xf32> to vector<1xf32>
    %squeeze3A_338 = vector.extract %slice3A_337[0] : f32 from vector<1xf32>
    %add3A_339 = arith.addf %add3A_336, %squeeze3A_338 : f32
    %slice3A_340 = vector.extract_strided_slice %scan3A_40#10 {offsets = [12], sizes = [1], strides = [1]} : vector<16xf32> to vector<1xf32>
    %squeeze3A_341 = vector.extract %slice3A_340[0] : f32 from vector<1xf32>
    %add3A_342 = arith.addf %add3A_339, %squeeze3A_341 : f32
    %slice3A_343 = vector.extract_strided_slice %scan3A_40#10 {offsets = [13], sizes = [1], strides = [1]} : vector<16xf32> to vector<1xf32>
    %squeeze3A_344 = vector.extract %slice3A_343[0] : f32 from vector<1xf32>
    %add3A_345 = arith.addf %add3A_342, %squeeze3A_344 : f32
    %slice3A_346 = vector.extract_strided_slice %scan3A_40#10 {offsets = [14], sizes = [1], strides = [1]} : vector<16xf32> to vector<1xf32>
    %squeeze3A_347 = vector.extract %slice3A_346[0] : f32 from vector<1xf32>
    %add3A_348 = arith.addf %add3A_345, %squeeze3A_347 : f32
    %slice3A_349 = vector.extract_strided_slice %scan3A_40#10 {offsets = [15], sizes = [1], strides = [1]} : vector<16xf32> to vector<1xf32>
    %squeeze3A_350 = vector.extract %slice3A_349[0] : f32 from vector<1xf32>
    %add3A_351 = arith.addf %add3A_348, %squeeze3A_350 : f32
    %broadcast_in_dim3A_352 = vector.broadcast %add3A_351 : f32 to vector<16xf32>
    %select_n3A_353 = arith.select %eq3A_304, %broadcast_in_dim3A_352, %select_n3A_249 : vector<16xi1>, vector<16xf32>
    %eq3A_354 = arith.constant 3 : i32
    %eq3A_355 = vector.broadcast %eq3A_354 : i32 to vector<16xi32>
    %eq3A_356 = arith.cmpi eq, %iota3A, %eq3A_355 : vector<16xi32>
    %slice3A_357 = vector.extract_strided_slice %scan3A_40#3 {offsets = [0], sizes = [1], strides = [1]} : vector<16xf32> to vector<1xf32>
    %squeeze3A_358 = vector.extract %slice3A_357[0] : f32 from vector<1xf32>
    %slice3A_359 = vector.extract_strided_slice %scan3A_40#3 {offsets = [1], sizes = [1], strides = [1]} : vector<16xf32> to vector<1xf32>
    %squeeze3A_360 = vector.extract %slice3A_359[0] : f32 from vector<1xf32>
    %add3A_361 = arith.addf %squeeze3A_358, %squeeze3A_360 : f32
    %slice3A_362 = vector.extract_strided_slice %scan3A_40#3 {offsets = [2], sizes = [1], strides = [1]} : vector<16xf32> to vector<1xf32>
    %squeeze3A_363 = vector.extract %slice3A_362[0] : f32 from vector<1xf32>
    %add3A_364 = arith.addf %add3A_361, %squeeze3A_363 : f32
    %slice3A_365 = vector.extract_strided_slice %scan3A_40#3 {offsets = [3], sizes = [1], strides = [1]} : vector<16xf32> to vector<1xf32>
    %squeeze3A_366 = vector.extract %slice3A_365[0] : f32 from vector<1xf32>
    %add3A_367 = arith.addf %add3A_364, %squeeze3A_366 : f32
    %slice3A_368 = vector.extract_strided_slice %scan3A_40#3 {offsets = [4], sizes = [1], strides = [1]} : vector<16xf32> to vector<1xf32>
    %squeeze3A_369 = vector.extract %slice3A_368[0] : f32 from vector<1xf32>
    %add3A_370 = arith.addf %add3A_367, %squeeze3A_369 : f32
    %slice3A_371 = vector.extract_strided_slice %scan3A_40#3 {offsets = [5], sizes = [1], strides = [1]} : vector<16xf32> to vector<1xf32>
    %squeeze3A_372 = vector.extract %slice3A_371[0] : f32 from vector<1xf32>
    %add3A_373 = arith.addf %add3A_370, %squeeze3A_372 : f32
    %slice3A_374 = vector.extract_strided_slice %scan3A_40#3 {offsets = [6], sizes = [1], strides = [1]} : vector<16xf32> to vector<1xf32>
    %squeeze3A_375 = vector.extract %slice3A_374[0] : f32 from vector<1xf32>
    %add3A_376 = arith.addf %add3A_373, %squeeze3A_375 : f32
    %slice3A_377 = vector.extract_strided_slice %scan3A_40#3 {offsets = [7], sizes = [1], strides = [1]} : vector<16xf32> to vector<1xf32>
    %squeeze3A_378 = vector.extract %slice3A_377[0] : f32 from vector<1xf32>
    %add3A_379 = arith.addf %add3A_376, %squeeze3A_378 : f32
    %slice3A_380 = vector.extract_strided_slice %scan3A_40#3 {offsets = [8], sizes = [1], strides = [1]} : vector<16xf32> to vector<1xf32>
    %squeeze3A_381 = vector.extract %slice3A_380[0] : f32 from vector<1xf32>
    %add3A_382 = arith.addf %add3A_379, %squeeze3A_381 : f32
    %slice3A_383 = vector.extract_strided_slice %scan3A_40#3 {offsets = [9], sizes = [1], strides = [1]} : vector<16xf32> to vector<1xf32>
    %squeeze3A_384 = vector.extract %slice3A_383[0] : f32 from vector<1xf32>
    %add3A_385 = arith.addf %add3A_382, %squeeze3A_384 : f32
    %slice3A_386 = vector.extract_strided_slice %scan3A_40#3 {offsets = [10], sizes = [1], strides = [1]} : vector<16xf32> to vector<1xf32>
    %squeeze3A_387 = vector.extract %slice3A_386[0] : f32 from vector<1xf32>
    %add3A_388 = arith.addf %add3A_385, %squeeze3A_387 : f32
    %slice3A_389 = vector.extract_strided_slice %scan3A_40#3 {offsets = [11], sizes = [1], strides = [1]} : vector<16xf32> to vector<1xf32>
    %squeeze3A_390 = vector.extract %slice3A_389[0] : f32 from vector<1xf32>
    %add3A_391 = arith.addf %add3A_388, %squeeze3A_390 : f32
    %slice3A_392 = vector.extract_strided_slice %scan3A_40#3 {offsets = [12], sizes = [1], strides = [1]} : vector<16xf32> to vector<1xf32>
    %squeeze3A_393 = vector.extract %slice3A_392[0] : f32 from vector<1xf32>
    %add3A_394 = arith.addf %add3A_391, %squeeze3A_393 : f32
    %slice3A_395 = vector.extract_strided_slice %scan3A_40#3 {offsets = [13], sizes = [1], strides = [1]} : vector<16xf32> to vector<1xf32>
    %squeeze3A_396 = vector.extract %slice3A_395[0] : f32 from vector<1xf32>
    %add3A_397 = arith.addf %add3A_394, %squeeze3A_396 : f32
    %slice3A_398 = vector.extract_strided_slice %scan3A_40#3 {offsets = [14], sizes = [1], strides = [1]} : vector<16xf32> to vector<1xf32>
    %squeeze3A_399 = vector.extract %slice3A_398[0] : f32 from vector<1xf32>
    %add3A_400 = arith.addf %add3A_397, %squeeze3A_399 : f32
    %slice3A_401 = vector.extract_strided_slice %scan3A_40#3 {offsets = [15], sizes = [1], strides = [1]} : vector<16xf32> to vector<1xf32>
    %squeeze3A_402 = vector.extract %slice3A_401[0] : f32 from vector<1xf32>
    %add3A_403 = arith.addf %add3A_400, %squeeze3A_402 : f32
    %broadcast_in_dim3A_404 = vector.broadcast %add3A_403 : f32 to vector<16xf32>
    %select_n3A_405 = arith.select %eq3A_356, %broadcast_in_dim3A_404, %select_n3A_301 : vector<16xi1>, vector<16xf32>
    %eq3A_406 = arith.constant 3 : i32
    %eq3A_407 = vector.broadcast %eq3A_406 : i32 to vector<16xi32>
    %eq3A_408 = arith.cmpi eq, %iota3A, %eq3A_407 : vector<16xi32>
    %slice3A_409 = vector.extract_strided_slice %scan3A_40#11 {offsets = [0], sizes = [1], strides = [1]} : vector<16xf32> to vector<1xf32>
    %squeeze3A_410 = vector.extract %slice3A_409[0] : f32 from vector<1xf32>
    %slice3A_411 = vector.extract_strided_slice %scan3A_40#11 {offsets = [1], sizes = [1], strides = [1]} : vector<16xf32> to vector<1xf32>
    %squeeze3A_412 = vector.extract %slice3A_411[0] : f32 from vector<1xf32>
    %add3A_413 = arith.addf %squeeze3A_410, %squeeze3A_412 : f32
    %slice3A_414 = vector.extract_strided_slice %scan3A_40#11 {offsets = [2], sizes = [1], strides = [1]} : vector<16xf32> to vector<1xf32>
    %squeeze3A_415 = vector.extract %slice3A_414[0] : f32 from vector<1xf32>
    %add3A_416 = arith.addf %add3A_413, %squeeze3A_415 : f32
    %slice3A_417 = vector.extract_strided_slice %scan3A_40#11 {offsets = [3], sizes = [1], strides = [1]} : vector<16xf32> to vector<1xf32>
    %squeeze3A_418 = vector.extract %slice3A_417[0] : f32 from vector<1xf32>
    %add3A_419 = arith.addf %add3A_416, %squeeze3A_418 : f32
    %slice3A_420 = vector.extract_strided_slice %scan3A_40#11 {offsets = [4], sizes = [1], strides = [1]} : vector<16xf32> to vector<1xf32>
    %squeeze3A_421 = vector.extract %slice3A_420[0] : f32 from vector<1xf32>
    %add3A_422 = arith.addf %add3A_419, %squeeze3A_421 : f32
    %slice3A_423 = vector.extract_strided_slice %scan3A_40#11 {offsets = [5], sizes = [1], strides = [1]} : vector<16xf32> to vector<1xf32>
    %squeeze3A_424 = vector.extract %slice3A_423[0] : f32 from vector<1xf32>
    %add3A_425 = arith.addf %add3A_422, %squeeze3A_424 : f32
    %slice3A_426 = vector.extract_strided_slice %scan3A_40#11 {offsets = [6], sizes = [1], strides = [1]} : vector<16xf32> to vector<1xf32>
    %squeeze3A_427 = vector.extract %slice3A_426[0] : f32 from vector<1xf32>
    %add3A_428 = arith.addf %add3A_425, %squeeze3A_427 : f32
    %slice3A_429 = vector.extract_strided_slice %scan3A_40#11 {offsets = [7], sizes = [1], strides = [1]} : vector<16xf32> to vector<1xf32>
    %squeeze3A_430 = vector.extract %slice3A_429[0] : f32 from vector<1xf32>
    %add3A_431 = arith.addf %add3A_428, %squeeze3A_430 : f32
    %slice3A_432 = vector.extract_strided_slice %scan3A_40#11 {offsets = [8], sizes = [1], strides = [1]} : vector<16xf32> to vector<1xf32>
    %squeeze3A_433 = vector.extract %slice3A_432[0] : f32 from vector<1xf32>
    %add3A_434 = arith.addf %add3A_431, %squeeze3A_433 : f32
    %slice3A_435 = vector.extract_strided_slice %scan3A_40#11 {offsets = [9], sizes = [1], strides = [1]} : vector<16xf32> to vector<1xf32>
    %squeeze3A_436 = vector.extract %slice3A_435[0] : f32 from vector<1xf32>
    %add3A_437 = arith.addf %add3A_434, %squeeze3A_436 : f32
    %slice3A_438 = vector.extract_strided_slice %scan3A_40#11 {offsets = [10], sizes = [1], strides = [1]} : vector<16xf32> to vector<1xf32>
    %squeeze3A_439 = vector.extract %slice3A_438[0] : f32 from vector<1xf32>
    %add3A_440 = arith.addf %add3A_437, %squeeze3A_439 : f32
    %slice3A_441 = vector.extract_strided_slice %scan3A_40#11 {offsets = [11], sizes = [1], strides = [1]} : vector<16xf32> to vector<1xf32>
    %squeeze3A_442 = vector.extract %slice3A_441[0] : f32 from vector<1xf32>
    %add3A_443 = arith.addf %add3A_440, %squeeze3A_442 : f32
    %slice3A_444 = vector.extract_strided_slice %scan3A_40#11 {offsets = [12], sizes = [1], strides = [1]} : vector<16xf32> to vector<1xf32>
    %squeeze3A_445 = vector.extract %slice3A_444[0] : f32 from vector<1xf32>
    %add3A_446 = arith.addf %add3A_443, %squeeze3A_445 : f32
    %slice3A_447 = vector.extract_strided_slice %scan3A_40#11 {offsets = [13], sizes = [1], strides = [1]} : vector<16xf32> to vector<1xf32>
    %squeeze3A_448 = vector.extract %slice3A_447[0] : f32 from vector<1xf32>
    %add3A_449 = arith.addf %add3A_446, %squeeze3A_448 : f32
    %slice3A_450 = vector.extract_strided_slice %scan3A_40#11 {offsets = [14], sizes = [1], strides = [1]} : vector<16xf32> to vector<1xf32>
    %squeeze3A_451 = vector.extract %slice3A_450[0] : f32 from vector<1xf32>
    %add3A_452 = arith.addf %add3A_449, %squeeze3A_451 : f32
    %slice3A_453 = vector.extract_strided_slice %scan3A_40#11 {offsets = [15], sizes = [1], strides = [1]} : vector<16xf32> to vector<1xf32>
    %squeeze3A_454 = vector.extract %slice3A_453[0] : f32 from vector<1xf32>
    %add3A_455 = arith.addf %add3A_452, %squeeze3A_454 : f32
    %broadcast_in_dim3A_456 = vector.broadcast %add3A_455 : f32 to vector<16xf32>
    %select_n3A_457 = arith.select %eq3A_408, %broadcast_in_dim3A_456, %select_n3A_353 : vector<16xi1>, vector<16xf32>
    %eq3A_458 = arith.constant 4 : i32
    %eq3A_459 = vector.broadcast %eq3A_458 : i32 to vector<16xi32>
    %eq3A_460 = arith.cmpi eq, %iota3A, %eq3A_459 : vector<16xi32>
    %slice3A_461 = vector.extract_strided_slice %scan3A_40#4 {offsets = [0], sizes = [1], strides = [1]} : vector<16xf32> to vector<1xf32>
    %squeeze3A_462 = vector.extract %slice3A_461[0] : f32 from vector<1xf32>
    %slice3A_463 = vector.extract_strided_slice %scan3A_40#4 {offsets = [1], sizes = [1], strides = [1]} : vector<16xf32> to vector<1xf32>
    %squeeze3A_464 = vector.extract %slice3A_463[0] : f32 from vector<1xf32>
    %add3A_465 = arith.addf %squeeze3A_462, %squeeze3A_464 : f32
    %slice3A_466 = vector.extract_strided_slice %scan3A_40#4 {offsets = [2], sizes = [1], strides = [1]} : vector<16xf32> to vector<1xf32>
    %squeeze3A_467 = vector.extract %slice3A_466[0] : f32 from vector<1xf32>
    %add3A_468 = arith.addf %add3A_465, %squeeze3A_467 : f32
    %slice3A_469 = vector.extract_strided_slice %scan3A_40#4 {offsets = [3], sizes = [1], strides = [1]} : vector<16xf32> to vector<1xf32>
    %squeeze3A_470 = vector.extract %slice3A_469[0] : f32 from vector<1xf32>
    %add3A_471 = arith.addf %add3A_468, %squeeze3A_470 : f32
    %slice3A_472 = vector.extract_strided_slice %scan3A_40#4 {offsets = [4], sizes = [1], strides = [1]} : vector<16xf32> to vector<1xf32>
    %squeeze3A_473 = vector.extract %slice3A_472[0] : f32 from vector<1xf32>
    %add3A_474 = arith.addf %add3A_471, %squeeze3A_473 : f32
    %slice3A_475 = vector.extract_strided_slice %scan3A_40#4 {offsets = [5], sizes = [1], strides = [1]} : vector<16xf32> to vector<1xf32>
    %squeeze3A_476 = vector.extract %slice3A_475[0] : f32 from vector<1xf32>
    %add3A_477 = arith.addf %add3A_474, %squeeze3A_476 : f32
    %slice3A_478 = vector.extract_strided_slice %scan3A_40#4 {offsets = [6], sizes = [1], strides = [1]} : vector<16xf32> to vector<1xf32>
    %squeeze3A_479 = vector.extract %slice3A_478[0] : f32 from vector<1xf32>
    %add3A_480 = arith.addf %add3A_477, %squeeze3A_479 : f32
    %slice3A_481 = vector.extract_strided_slice %scan3A_40#4 {offsets = [7], sizes = [1], strides = [1]} : vector<16xf32> to vector<1xf32>
    %squeeze3A_482 = vector.extract %slice3A_481[0] : f32 from vector<1xf32>
    %add3A_483 = arith.addf %add3A_480, %squeeze3A_482 : f32
    %slice3A_484 = vector.extract_strided_slice %scan3A_40#4 {offsets = [8], sizes = [1], strides = [1]} : vector<16xf32> to vector<1xf32>
    %squeeze3A_485 = vector.extract %slice3A_484[0] : f32 from vector<1xf32>
    %add3A_486 = arith.addf %add3A_483, %squeeze3A_485 : f32
    %slice3A_487 = vector.extract_strided_slice %scan3A_40#4 {offsets = [9], sizes = [1], strides = [1]} : vector<16xf32> to vector<1xf32>
    %squeeze3A_488 = vector.extract %slice3A_487[0] : f32 from vector<1xf32>
    %add3A_489 = arith.addf %add3A_486, %squeeze3A_488 : f32
    %slice3A_490 = vector.extract_strided_slice %scan3A_40#4 {offsets = [10], sizes = [1], strides = [1]} : vector<16xf32> to vector<1xf32>
    %squeeze3A_491 = vector.extract %slice3A_490[0] : f32 from vector<1xf32>
    %add3A_492 = arith.addf %add3A_489, %squeeze3A_491 : f32
    %slice3A_493 = vector.extract_strided_slice %scan3A_40#4 {offsets = [11], sizes = [1], strides = [1]} : vector<16xf32> to vector<1xf32>
    %squeeze3A_494 = vector.extract %slice3A_493[0] : f32 from vector<1xf32>
    %add3A_495 = arith.addf %add3A_492, %squeeze3A_494 : f32
    %slice3A_496 = vector.extract_strided_slice %scan3A_40#4 {offsets = [12], sizes = [1], strides = [1]} : vector<16xf32> to vector<1xf32>
    %squeeze3A_497 = vector.extract %slice3A_496[0] : f32 from vector<1xf32>
    %add3A_498 = arith.addf %add3A_495, %squeeze3A_497 : f32
    %slice3A_499 = vector.extract_strided_slice %scan3A_40#4 {offsets = [13], sizes = [1], strides = [1]} : vector<16xf32> to vector<1xf32>
    %squeeze3A_500 = vector.extract %slice3A_499[0] : f32 from vector<1xf32>
    %add3A_501 = arith.addf %add3A_498, %squeeze3A_500 : f32
    %slice3A_502 = vector.extract_strided_slice %scan3A_40#4 {offsets = [14], sizes = [1], strides = [1]} : vector<16xf32> to vector<1xf32>
    %squeeze3A_503 = vector.extract %slice3A_502[0] : f32 from vector<1xf32>
    %add3A_504 = arith.addf %add3A_501, %squeeze3A_503 : f32
    %slice3A_505 = vector.extract_strided_slice %scan3A_40#4 {offsets = [15], sizes = [1], strides = [1]} : vector<16xf32> to vector<1xf32>
    %squeeze3A_506 = vector.extract %slice3A_505[0] : f32 from vector<1xf32>
    %add3A_507 = arith.addf %add3A_504, %squeeze3A_506 : f32
    %broadcast_in_dim3A_508 = vector.broadcast %add3A_507 : f32 to vector<16xf32>
    %select_n3A_509 = arith.select %eq3A_460, %broadcast_in_dim3A_508, %select_n3A_405 : vector<16xi1>, vector<16xf32>
    %eq3A_510 = arith.constant 4 : i32
    %eq3A_511 = vector.broadcast %eq3A_510 : i32 to vector<16xi32>
    %eq3A_512 = arith.cmpi eq, %iota3A, %eq3A_511 : vector<16xi32>
    %slice3A_513 = vector.extract_strided_slice %scan3A_40#12 {offsets = [0], sizes = [1], strides = [1]} : vector<16xf32> to vector<1xf32>
    %squeeze3A_514 = vector.extract %slice3A_513[0] : f32 from vector<1xf32>
    %slice3A_515 = vector.extract_strided_slice %scan3A_40#12 {offsets = [1], sizes = [1], strides = [1]} : vector<16xf32> to vector<1xf32>
    %squeeze3A_516 = vector.extract %slice3A_515[0] : f32 from vector<1xf32>
    %add3A_517 = arith.addf %squeeze3A_514, %squeeze3A_516 : f32
    %slice3A_518 = vector.extract_strided_slice %scan3A_40#12 {offsets = [2], sizes = [1], strides = [1]} : vector<16xf32> to vector<1xf32>
    %squeeze3A_519 = vector.extract %slice3A_518[0] : f32 from vector<1xf32>
    %add3A_520 = arith.addf %add3A_517, %squeeze3A_519 : f32
    %slice3A_521 = vector.extract_strided_slice %scan3A_40#12 {offsets = [3], sizes = [1], strides = [1]} : vector<16xf32> to vector<1xf32>
    %squeeze3A_522 = vector.extract %slice3A_521[0] : f32 from vector<1xf32>
    %add3A_523 = arith.addf %add3A_520, %squeeze3A_522 : f32
    %slice3A_524 = vector.extract_strided_slice %scan3A_40#12 {offsets = [4], sizes = [1], strides = [1]} : vector<16xf32> to vector<1xf32>
    %squeeze3A_525 = vector.extract %slice3A_524[0] : f32 from vector<1xf32>
    %add3A_526 = arith.addf %add3A_523, %squeeze3A_525 : f32
    %slice3A_527 = vector.extract_strided_slice %scan3A_40#12 {offsets = [5], sizes = [1], strides = [1]} : vector<16xf32> to vector<1xf32>
    %squeeze3A_528 = vector.extract %slice3A_527[0] : f32 from vector<1xf32>
    %add3A_529 = arith.addf %add3A_526, %squeeze3A_528 : f32
    %slice3A_530 = vector.extract_strided_slice %scan3A_40#12 {offsets = [6], sizes = [1], strides = [1]} : vector<16xf32> to vector<1xf32>
    %squeeze3A_531 = vector.extract %slice3A_530[0] : f32 from vector<1xf32>
    %add3A_532 = arith.addf %add3A_529, %squeeze3A_531 : f32
    %slice3A_533 = vector.extract_strided_slice %scan3A_40#12 {offsets = [7], sizes = [1], strides = [1]} : vector<16xf32> to vector<1xf32>
    %squeeze3A_534 = vector.extract %slice3A_533[0] : f32 from vector<1xf32>
    %add3A_535 = arith.addf %add3A_532, %squeeze3A_534 : f32
    %slice3A_536 = vector.extract_strided_slice %scan3A_40#12 {offsets = [8], sizes = [1], strides = [1]} : vector<16xf32> to vector<1xf32>
    %squeeze3A_537 = vector.extract %slice3A_536[0] : f32 from vector<1xf32>
    %add3A_538 = arith.addf %add3A_535, %squeeze3A_537 : f32
    %slice3A_539 = vector.extract_strided_slice %scan3A_40#12 {offsets = [9], sizes = [1], strides = [1]} : vector<16xf32> to vector<1xf32>
    %squeeze3A_540 = vector.extract %slice3A_539[0] : f32 from vector<1xf32>
    %add3A_541 = arith.addf %add3A_538, %squeeze3A_540 : f32
    %slice3A_542 = vector.extract_strided_slice %scan3A_40#12 {offsets = [10], sizes = [1], strides = [1]} : vector<16xf32> to vector<1xf32>
    %squeeze3A_543 = vector.extract %slice3A_542[0] : f32 from vector<1xf32>
    %add3A_544 = arith.addf %add3A_541, %squeeze3A_543 : f32
    %slice3A_545 = vector.extract_strided_slice %scan3A_40#12 {offsets = [11], sizes = [1], strides = [1]} : vector<16xf32> to vector<1xf32>
    %squeeze3A_546 = vector.extract %slice3A_545[0] : f32 from vector<1xf32>
    %add3A_547 = arith.addf %add3A_544, %squeeze3A_546 : f32
    %slice3A_548 = vector.extract_strided_slice %scan3A_40#12 {offsets = [12], sizes = [1], strides = [1]} : vector<16xf32> to vector<1xf32>
    %squeeze3A_549 = vector.extract %slice3A_548[0] : f32 from vector<1xf32>
    %add3A_550 = arith.addf %add3A_547, %squeeze3A_549 : f32
    %slice3A_551 = vector.extract_strided_slice %scan3A_40#12 {offsets = [13], sizes = [1], strides = [1]} : vector<16xf32> to vector<1xf32>
    %squeeze3A_552 = vector.extract %slice3A_551[0] : f32 from vector<1xf32>
    %add3A_553 = arith.addf %add3A_550, %squeeze3A_552 : f32
    %slice3A_554 = vector.extract_strided_slice %scan3A_40#12 {offsets = [14], sizes = [1], strides = [1]} : vector<16xf32> to vector<1xf32>
    %squeeze3A_555 = vector.extract %slice3A_554[0] : f32 from vector<1xf32>
    %add3A_556 = arith.addf %add3A_553, %squeeze3A_555 : f32
    %slice3A_557 = vector.extract_strided_slice %scan3A_40#12 {offsets = [15], sizes = [1], strides = [1]} : vector<16xf32> to vector<1xf32>
    %squeeze3A_558 = vector.extract %slice3A_557[0] : f32 from vector<1xf32>
    %add3A_559 = arith.addf %add3A_556, %squeeze3A_558 : f32
    %broadcast_in_dim3A_560 = vector.broadcast %add3A_559 : f32 to vector<16xf32>
    %select_n3A_561 = arith.select %eq3A_512, %broadcast_in_dim3A_560, %select_n3A_457 : vector<16xi1>, vector<16xf32>
    %eq3A_562 = arith.constant 5 : i32
    %eq3A_563 = vector.broadcast %eq3A_562 : i32 to vector<16xi32>
    %eq3A_564 = arith.cmpi eq, %iota3A, %eq3A_563 : vector<16xi32>
    %slice3A_565 = vector.extract_strided_slice %scan3A_40#5 {offsets = [0], sizes = [1], strides = [1]} : vector<16xf32> to vector<1xf32>
    %squeeze3A_566 = vector.extract %slice3A_565[0] : f32 from vector<1xf32>
    %slice3A_567 = vector.extract_strided_slice %scan3A_40#5 {offsets = [1], sizes = [1], strides = [1]} : vector<16xf32> to vector<1xf32>
    %squeeze3A_568 = vector.extract %slice3A_567[0] : f32 from vector<1xf32>
    %add3A_569 = arith.addf %squeeze3A_566, %squeeze3A_568 : f32
    %slice3A_570 = vector.extract_strided_slice %scan3A_40#5 {offsets = [2], sizes = [1], strides = [1]} : vector<16xf32> to vector<1xf32>
    %squeeze3A_571 = vector.extract %slice3A_570[0] : f32 from vector<1xf32>
    %add3A_572 = arith.addf %add3A_569, %squeeze3A_571 : f32
    %slice3A_573 = vector.extract_strided_slice %scan3A_40#5 {offsets = [3], sizes = [1], strides = [1]} : vector<16xf32> to vector<1xf32>
    %squeeze3A_574 = vector.extract %slice3A_573[0] : f32 from vector<1xf32>
    %add3A_575 = arith.addf %add3A_572, %squeeze3A_574 : f32
    %slice3A_576 = vector.extract_strided_slice %scan3A_40#5 {offsets = [4], sizes = [1], strides = [1]} : vector<16xf32> to vector<1xf32>
    %squeeze3A_577 = vector.extract %slice3A_576[0] : f32 from vector<1xf32>
    %add3A_578 = arith.addf %add3A_575, %squeeze3A_577 : f32
    %slice3A_579 = vector.extract_strided_slice %scan3A_40#5 {offsets = [5], sizes = [1], strides = [1]} : vector<16xf32> to vector<1xf32>
    %squeeze3A_580 = vector.extract %slice3A_579[0] : f32 from vector<1xf32>
    %add3A_581 = arith.addf %add3A_578, %squeeze3A_580 : f32
    %slice3A_582 = vector.extract_strided_slice %scan3A_40#5 {offsets = [6], sizes = [1], strides = [1]} : vector<16xf32> to vector<1xf32>
    %squeeze3A_583 = vector.extract %slice3A_582[0] : f32 from vector<1xf32>
    %add3A_584 = arith.addf %add3A_581, %squeeze3A_583 : f32
    %slice3A_585 = vector.extract_strided_slice %scan3A_40#5 {offsets = [7], sizes = [1], strides = [1]} : vector<16xf32> to vector<1xf32>
    %squeeze3A_586 = vector.extract %slice3A_585[0] : f32 from vector<1xf32>
    %add3A_587 = arith.addf %add3A_584, %squeeze3A_586 : f32
    %slice3A_588 = vector.extract_strided_slice %scan3A_40#5 {offsets = [8], sizes = [1], strides = [1]} : vector<16xf32> to vector<1xf32>
    %squeeze3A_589 = vector.extract %slice3A_588[0] : f32 from vector<1xf32>
    %add3A_590 = arith.addf %add3A_587, %squeeze3A_589 : f32
    %slice3A_591 = vector.extract_strided_slice %scan3A_40#5 {offsets = [9], sizes = [1], strides = [1]} : vector<16xf32> to vector<1xf32>
    %squeeze3A_592 = vector.extract %slice3A_591[0] : f32 from vector<1xf32>
    %add3A_593 = arith.addf %add3A_590, %squeeze3A_592 : f32
    %slice3A_594 = vector.extract_strided_slice %scan3A_40#5 {offsets = [10], sizes = [1], strides = [1]} : vector<16xf32> to vector<1xf32>
    %squeeze3A_595 = vector.extract %slice3A_594[0] : f32 from vector<1xf32>
    %add3A_596 = arith.addf %add3A_593, %squeeze3A_595 : f32
    %slice3A_597 = vector.extract_strided_slice %scan3A_40#5 {offsets = [11], sizes = [1], strides = [1]} : vector<16xf32> to vector<1xf32>
    %squeeze3A_598 = vector.extract %slice3A_597[0] : f32 from vector<1xf32>
    %add3A_599 = arith.addf %add3A_596, %squeeze3A_598 : f32
    %slice3A_600 = vector.extract_strided_slice %scan3A_40#5 {offsets = [12], sizes = [1], strides = [1]} : vector<16xf32> to vector<1xf32>
    %squeeze3A_601 = vector.extract %slice3A_600[0] : f32 from vector<1xf32>
    %add3A_602 = arith.addf %add3A_599, %squeeze3A_601 : f32
    %slice3A_603 = vector.extract_strided_slice %scan3A_40#5 {offsets = [13], sizes = [1], strides = [1]} : vector<16xf32> to vector<1xf32>
    %squeeze3A_604 = vector.extract %slice3A_603[0] : f32 from vector<1xf32>
    %add3A_605 = arith.addf %add3A_602, %squeeze3A_604 : f32
    %slice3A_606 = vector.extract_strided_slice %scan3A_40#5 {offsets = [14], sizes = [1], strides = [1]} : vector<16xf32> to vector<1xf32>
    %squeeze3A_607 = vector.extract %slice3A_606[0] : f32 from vector<1xf32>
    %add3A_608 = arith.addf %add3A_605, %squeeze3A_607 : f32
    %slice3A_609 = vector.extract_strided_slice %scan3A_40#5 {offsets = [15], sizes = [1], strides = [1]} : vector<16xf32> to vector<1xf32>
    %squeeze3A_610 = vector.extract %slice3A_609[0] : f32 from vector<1xf32>
    %add3A_611 = arith.addf %add3A_608, %squeeze3A_610 : f32
    %broadcast_in_dim3A_612 = vector.broadcast %add3A_611 : f32 to vector<16xf32>
    %select_n3A_613 = arith.select %eq3A_564, %broadcast_in_dim3A_612, %select_n3A_509 : vector<16xi1>, vector<16xf32>
    %eq3A_614 = arith.constant 5 : i32
    %eq3A_615 = vector.broadcast %eq3A_614 : i32 to vector<16xi32>
    %eq3A_616 = arith.cmpi eq, %iota3A, %eq3A_615 : vector<16xi32>
    %slice3A_617 = vector.extract_strided_slice %scan3A_40#13 {offsets = [0], sizes = [1], strides = [1]} : vector<16xf32> to vector<1xf32>
    %squeeze3A_618 = vector.extract %slice3A_617[0] : f32 from vector<1xf32>
    %slice3A_619 = vector.extract_strided_slice %scan3A_40#13 {offsets = [1], sizes = [1], strides = [1]} : vector<16xf32> to vector<1xf32>
    %squeeze3A_620 = vector.extract %slice3A_619[0] : f32 from vector<1xf32>
    %add3A_621 = arith.addf %squeeze3A_618, %squeeze3A_620 : f32
    %slice3A_622 = vector.extract_strided_slice %scan3A_40#13 {offsets = [2], sizes = [1], strides = [1]} : vector<16xf32> to vector<1xf32>
    %squeeze3A_623 = vector.extract %slice3A_622[0] : f32 from vector<1xf32>
    %add3A_624 = arith.addf %add3A_621, %squeeze3A_623 : f32
    %slice3A_625 = vector.extract_strided_slice %scan3A_40#13 {offsets = [3], sizes = [1], strides = [1]} : vector<16xf32> to vector<1xf32>
    %squeeze3A_626 = vector.extract %slice3A_625[0] : f32 from vector<1xf32>
    %add3A_627 = arith.addf %add3A_624, %squeeze3A_626 : f32
    %slice3A_628 = vector.extract_strided_slice %scan3A_40#13 {offsets = [4], sizes = [1], strides = [1]} : vector<16xf32> to vector<1xf32>
    %squeeze3A_629 = vector.extract %slice3A_628[0] : f32 from vector<1xf32>
    %add3A_630 = arith.addf %add3A_627, %squeeze3A_629 : f32
    %slice3A_631 = vector.extract_strided_slice %scan3A_40#13 {offsets = [5], sizes = [1], strides = [1]} : vector<16xf32> to vector<1xf32>
    %squeeze3A_632 = vector.extract %slice3A_631[0] : f32 from vector<1xf32>
    %add3A_633 = arith.addf %add3A_630, %squeeze3A_632 : f32
    %slice3A_634 = vector.extract_strided_slice %scan3A_40#13 {offsets = [6], sizes = [1], strides = [1]} : vector<16xf32> to vector<1xf32>
    %squeeze3A_635 = vector.extract %slice3A_634[0] : f32 from vector<1xf32>
    %add3A_636 = arith.addf %add3A_633, %squeeze3A_635 : f32
    %slice3A_637 = vector.extract_strided_slice %scan3A_40#13 {offsets = [7], sizes = [1], strides = [1]} : vector<16xf32> to vector<1xf32>
    %squeeze3A_638 = vector.extract %slice3A_637[0] : f32 from vector<1xf32>
    %add3A_639 = arith.addf %add3A_636, %squeeze3A_638 : f32
    %slice3A_640 = vector.extract_strided_slice %scan3A_40#13 {offsets = [8], sizes = [1], strides = [1]} : vector<16xf32> to vector<1xf32>
    %squeeze3A_641 = vector.extract %slice3A_640[0] : f32 from vector<1xf32>
    %add3A_642 = arith.addf %add3A_639, %squeeze3A_641 : f32
    %slice3A_643 = vector.extract_strided_slice %scan3A_40#13 {offsets = [9], sizes = [1], strides = [1]} : vector<16xf32> to vector<1xf32>
    %squeeze3A_644 = vector.extract %slice3A_643[0] : f32 from vector<1xf32>
    %add3A_645 = arith.addf %add3A_642, %squeeze3A_644 : f32
    %slice3A_646 = vector.extract_strided_slice %scan3A_40#13 {offsets = [10], sizes = [1], strides = [1]} : vector<16xf32> to vector<1xf32>
    %squeeze3A_647 = vector.extract %slice3A_646[0] : f32 from vector<1xf32>
    %add3A_648 = arith.addf %add3A_645, %squeeze3A_647 : f32
    %slice3A_649 = vector.extract_strided_slice %scan3A_40#13 {offsets = [11], sizes = [1], strides = [1]} : vector<16xf32> to vector<1xf32>
    %squeeze3A_650 = vector.extract %slice3A_649[0] : f32 from vector<1xf32>
    %add3A_651 = arith.addf %add3A_648, %squeeze3A_650 : f32
    %slice3A_652 = vector.extract_strided_slice %scan3A_40#13 {offsets = [12], sizes = [1], strides = [1]} : vector<16xf32> to vector<1xf32>
    %squeeze3A_653 = vector.extract %slice3A_652[0] : f32 from vector<1xf32>
    %add3A_654 = arith.addf %add3A_651, %squeeze3A_653 : f32
    %slice3A_655 = vector.extract_strided_slice %scan3A_40#13 {offsets = [13], sizes = [1], strides = [1]} : vector<16xf32> to vector<1xf32>
    %squeeze3A_656 = vector.extract %slice3A_655[0] : f32 from vector<1xf32>
    %add3A_657 = arith.addf %add3A_654, %squeeze3A_656 : f32
    %slice3A_658 = vector.extract_strided_slice %scan3A_40#13 {offsets = [14], sizes = [1], strides = [1]} : vector<16xf32> to vector<1xf32>
    %squeeze3A_659 = vector.extract %slice3A_658[0] : f32 from vector<1xf32>
    %add3A_660 = arith.addf %add3A_657, %squeeze3A_659 : f32
    %slice3A_661 = vector.extract_strided_slice %scan3A_40#13 {offsets = [15], sizes = [1], strides = [1]} : vector<16xf32> to vector<1xf32>
    %squeeze3A_662 = vector.extract %slice3A_661[0] : f32 from vector<1xf32>
    %add3A_663 = arith.addf %add3A_660, %squeeze3A_662 : f32
    %broadcast_in_dim3A_664 = vector.broadcast %add3A_663 : f32 to vector<16xf32>
    %select_n3A_665 = arith.select %eq3A_616, %broadcast_in_dim3A_664, %select_n3A_561 : vector<16xi1>, vector<16xf32>
    %eq3A_666 = arith.constant 6 : i32
    %eq3A_667 = vector.broadcast %eq3A_666 : i32 to vector<16xi32>
    %eq3A_668 = arith.cmpi eq, %iota3A, %eq3A_667 : vector<16xi32>
    %slice3A_669 = vector.extract_strided_slice %scan3A_40#6 {offsets = [0], sizes = [1], strides = [1]} : vector<16xf32> to vector<1xf32>
    %squeeze3A_670 = vector.extract %slice3A_669[0] : f32 from vector<1xf32>
    %slice3A_671 = vector.extract_strided_slice %scan3A_40#6 {offsets = [1], sizes = [1], strides = [1]} : vector<16xf32> to vector<1xf32>
    %squeeze3A_672 = vector.extract %slice3A_671[0] : f32 from vector<1xf32>
    %add3A_673 = arith.addf %squeeze3A_670, %squeeze3A_672 : f32
    %slice3A_674 = vector.extract_strided_slice %scan3A_40#6 {offsets = [2], sizes = [1], strides = [1]} : vector<16xf32> to vector<1xf32>
    %squeeze3A_675 = vector.extract %slice3A_674[0] : f32 from vector<1xf32>
    %add3A_676 = arith.addf %add3A_673, %squeeze3A_675 : f32
    %slice3A_677 = vector.extract_strided_slice %scan3A_40#6 {offsets = [3], sizes = [1], strides = [1]} : vector<16xf32> to vector<1xf32>
    %squeeze3A_678 = vector.extract %slice3A_677[0] : f32 from vector<1xf32>
    %add3A_679 = arith.addf %add3A_676, %squeeze3A_678 : f32
    %slice3A_680 = vector.extract_strided_slice %scan3A_40#6 {offsets = [4], sizes = [1], strides = [1]} : vector<16xf32> to vector<1xf32>
    %squeeze3A_681 = vector.extract %slice3A_680[0] : f32 from vector<1xf32>
    %add3A_682 = arith.addf %add3A_679, %squeeze3A_681 : f32
    %slice3A_683 = vector.extract_strided_slice %scan3A_40#6 {offsets = [5], sizes = [1], strides = [1]} : vector<16xf32> to vector<1xf32>
    %squeeze3A_684 = vector.extract %slice3A_683[0] : f32 from vector<1xf32>
    %add3A_685 = arith.addf %add3A_682, %squeeze3A_684 : f32
    %slice3A_686 = vector.extract_strided_slice %scan3A_40#6 {offsets = [6], sizes = [1], strides = [1]} : vector<16xf32> to vector<1xf32>
    %squeeze3A_687 = vector.extract %slice3A_686[0] : f32 from vector<1xf32>
    %add3A_688 = arith.addf %add3A_685, %squeeze3A_687 : f32
    %slice3A_689 = vector.extract_strided_slice %scan3A_40#6 {offsets = [7], sizes = [1], strides = [1]} : vector<16xf32> to vector<1xf32>
    %squeeze3A_690 = vector.extract %slice3A_689[0] : f32 from vector<1xf32>
    %add3A_691 = arith.addf %add3A_688, %squeeze3A_690 : f32
    %slice3A_692 = vector.extract_strided_slice %scan3A_40#6 {offsets = [8], sizes = [1], strides = [1]} : vector<16xf32> to vector<1xf32>
    %squeeze3A_693 = vector.extract %slice3A_692[0] : f32 from vector<1xf32>
    %add3A_694 = arith.addf %add3A_691, %squeeze3A_693 : f32
    %slice3A_695 = vector.extract_strided_slice %scan3A_40#6 {offsets = [9], sizes = [1], strides = [1]} : vector<16xf32> to vector<1xf32>
    %squeeze3A_696 = vector.extract %slice3A_695[0] : f32 from vector<1xf32>
    %add3A_697 = arith.addf %add3A_694, %squeeze3A_696 : f32
    %slice3A_698 = vector.extract_strided_slice %scan3A_40#6 {offsets = [10], sizes = [1], strides = [1]} : vector<16xf32> to vector<1xf32>
    %squeeze3A_699 = vector.extract %slice3A_698[0] : f32 from vector<1xf32>
    %add3A_700 = arith.addf %add3A_697, %squeeze3A_699 : f32
    %slice3A_701 = vector.extract_strided_slice %scan3A_40#6 {offsets = [11], sizes = [1], strides = [1]} : vector<16xf32> to vector<1xf32>
    %squeeze3A_702 = vector.extract %slice3A_701[0] : f32 from vector<1xf32>
    %add3A_703 = arith.addf %add3A_700, %squeeze3A_702 : f32
    %slice3A_704 = vector.extract_strided_slice %scan3A_40#6 {offsets = [12], sizes = [1], strides = [1]} : vector<16xf32> to vector<1xf32>
    %squeeze3A_705 = vector.extract %slice3A_704[0] : f32 from vector<1xf32>
    %add3A_706 = arith.addf %add3A_703, %squeeze3A_705 : f32
    %slice3A_707 = vector.extract_strided_slice %scan3A_40#6 {offsets = [13], sizes = [1], strides = [1]} : vector<16xf32> to vector<1xf32>
    %squeeze3A_708 = vector.extract %slice3A_707[0] : f32 from vector<1xf32>
    %add3A_709 = arith.addf %add3A_706, %squeeze3A_708 : f32
    %slice3A_710 = vector.extract_strided_slice %scan3A_40#6 {offsets = [14], sizes = [1], strides = [1]} : vector<16xf32> to vector<1xf32>
    %squeeze3A_711 = vector.extract %slice3A_710[0] : f32 from vector<1xf32>
    %add3A_712 = arith.addf %add3A_709, %squeeze3A_711 : f32
    %slice3A_713 = vector.extract_strided_slice %scan3A_40#6 {offsets = [15], sizes = [1], strides = [1]} : vector<16xf32> to vector<1xf32>
    %squeeze3A_714 = vector.extract %slice3A_713[0] : f32 from vector<1xf32>
    %add3A_715 = arith.addf %add3A_712, %squeeze3A_714 : f32
    %broadcast_in_dim3A_716 = vector.broadcast %add3A_715 : f32 to vector<16xf32>
    %select_n3A_717 = arith.select %eq3A_668, %broadcast_in_dim3A_716, %select_n3A_613 : vector<16xi1>, vector<16xf32>
    %eq3A_718 = arith.constant 6 : i32
    %eq3A_719 = vector.broadcast %eq3A_718 : i32 to vector<16xi32>
    %eq3A_720 = arith.cmpi eq, %iota3A, %eq3A_719 : vector<16xi32>
    %slice3A_721 = vector.extract_strided_slice %scan3A_40#14 {offsets = [0], sizes = [1], strides = [1]} : vector<16xf32> to vector<1xf32>
    %squeeze3A_722 = vector.extract %slice3A_721[0] : f32 from vector<1xf32>
    %slice3A_723 = vector.extract_strided_slice %scan3A_40#14 {offsets = [1], sizes = [1], strides = [1]} : vector<16xf32> to vector<1xf32>
    %squeeze3A_724 = vector.extract %slice3A_723[0] : f32 from vector<1xf32>
    %add3A_725 = arith.addf %squeeze3A_722, %squeeze3A_724 : f32
    %slice3A_726 = vector.extract_strided_slice %scan3A_40#14 {offsets = [2], sizes = [1], strides = [1]} : vector<16xf32> to vector<1xf32>
    %squeeze3A_727 = vector.extract %slice3A_726[0] : f32 from vector<1xf32>
    %add3A_728 = arith.addf %add3A_725, %squeeze3A_727 : f32
    %slice3A_729 = vector.extract_strided_slice %scan3A_40#14 {offsets = [3], sizes = [1], strides = [1]} : vector<16xf32> to vector<1xf32>
    %squeeze3A_730 = vector.extract %slice3A_729[0] : f32 from vector<1xf32>
    %add3A_731 = arith.addf %add3A_728, %squeeze3A_730 : f32
    %slice3A_732 = vector.extract_strided_slice %scan3A_40#14 {offsets = [4], sizes = [1], strides = [1]} : vector<16xf32> to vector<1xf32>
    %squeeze3A_733 = vector.extract %slice3A_732[0] : f32 from vector<1xf32>
    %add3A_734 = arith.addf %add3A_731, %squeeze3A_733 : f32
    %slice3A_735 = vector.extract_strided_slice %scan3A_40#14 {offsets = [5], sizes = [1], strides = [1]} : vector<16xf32> to vector<1xf32>
    %squeeze3A_736 = vector.extract %slice3A_735[0] : f32 from vector<1xf32>
    %add3A_737 = arith.addf %add3A_734, %squeeze3A_736 : f32
    %slice3A_738 = vector.extract_strided_slice %scan3A_40#14 {offsets = [6], sizes = [1], strides = [1]} : vector<16xf32> to vector<1xf32>
    %squeeze3A_739 = vector.extract %slice3A_738[0] : f32 from vector<1xf32>
    %add3A_740 = arith.addf %add3A_737, %squeeze3A_739 : f32
    %slice3A_741 = vector.extract_strided_slice %scan3A_40#14 {offsets = [7], sizes = [1], strides = [1]} : vector<16xf32> to vector<1xf32>
    %squeeze3A_742 = vector.extract %slice3A_741[0] : f32 from vector<1xf32>
    %add3A_743 = arith.addf %add3A_740, %squeeze3A_742 : f32
    %slice3A_744 = vector.extract_strided_slice %scan3A_40#14 {offsets = [8], sizes = [1], strides = [1]} : vector<16xf32> to vector<1xf32>
    %squeeze3A_745 = vector.extract %slice3A_744[0] : f32 from vector<1xf32>
    %add3A_746 = arith.addf %add3A_743, %squeeze3A_745 : f32
    %slice3A_747 = vector.extract_strided_slice %scan3A_40#14 {offsets = [9], sizes = [1], strides = [1]} : vector<16xf32> to vector<1xf32>
    %squeeze3A_748 = vector.extract %slice3A_747[0] : f32 from vector<1xf32>
    %add3A_749 = arith.addf %add3A_746, %squeeze3A_748 : f32
    %slice3A_750 = vector.extract_strided_slice %scan3A_40#14 {offsets = [10], sizes = [1], strides = [1]} : vector<16xf32> to vector<1xf32>
    %squeeze3A_751 = vector.extract %slice3A_750[0] : f32 from vector<1xf32>
    %add3A_752 = arith.addf %add3A_749, %squeeze3A_751 : f32
    %slice3A_753 = vector.extract_strided_slice %scan3A_40#14 {offsets = [11], sizes = [1], strides = [1]} : vector<16xf32> to vector<1xf32>
    %squeeze3A_754 = vector.extract %slice3A_753[0] : f32 from vector<1xf32>
    %add3A_755 = arith.addf %add3A_752, %squeeze3A_754 : f32
    %slice3A_756 = vector.extract_strided_slice %scan3A_40#14 {offsets = [12], sizes = [1], strides = [1]} : vector<16xf32> to vector<1xf32>
    %squeeze3A_757 = vector.extract %slice3A_756[0] : f32 from vector<1xf32>
    %add3A_758 = arith.addf %add3A_755, %squeeze3A_757 : f32
    %slice3A_759 = vector.extract_strided_slice %scan3A_40#14 {offsets = [13], sizes = [1], strides = [1]} : vector<16xf32> to vector<1xf32>
    %squeeze3A_760 = vector.extract %slice3A_759[0] : f32 from vector<1xf32>
    %add3A_761 = arith.addf %add3A_758, %squeeze3A_760 : f32
    %slice3A_762 = vector.extract_strided_slice %scan3A_40#14 {offsets = [14], sizes = [1], strides = [1]} : vector<16xf32> to vector<1xf32>
    %squeeze3A_763 = vector.extract %slice3A_762[0] : f32 from vector<1xf32>
    %add3A_764 = arith.addf %add3A_761, %squeeze3A_763 : f32
    %slice3A_765 = vector.extract_strided_slice %scan3A_40#14 {offsets = [15], sizes = [1], strides = [1]} : vector<16xf32> to vector<1xf32>
    %squeeze3A_766 = vector.extract %slice3A_765[0] : f32 from vector<1xf32>
    %add3A_767 = arith.addf %add3A_764, %squeeze3A_766 : f32
    %broadcast_in_dim3A_768 = vector.broadcast %add3A_767 : f32 to vector<16xf32>
    %select_n3A_769 = arith.select %eq3A_720, %broadcast_in_dim3A_768, %select_n3A_665 : vector<16xi1>, vector<16xf32>
    %eq3A_770 = arith.constant 7 : i32
    %eq3A_771 = vector.broadcast %eq3A_770 : i32 to vector<16xi32>
    %eq3A_772 = arith.cmpi eq, %iota3A, %eq3A_771 : vector<16xi32>
    %slice3A_773 = vector.extract_strided_slice %scan3A_40#7 {offsets = [0], sizes = [1], strides = [1]} : vector<16xf32> to vector<1xf32>
    %squeeze3A_774 = vector.extract %slice3A_773[0] : f32 from vector<1xf32>
    %slice3A_775 = vector.extract_strided_slice %scan3A_40#7 {offsets = [1], sizes = [1], strides = [1]} : vector<16xf32> to vector<1xf32>
    %squeeze3A_776 = vector.extract %slice3A_775[0] : f32 from vector<1xf32>
    %add3A_777 = arith.addf %squeeze3A_774, %squeeze3A_776 : f32
    %slice3A_778 = vector.extract_strided_slice %scan3A_40#7 {offsets = [2], sizes = [1], strides = [1]} : vector<16xf32> to vector<1xf32>
    %squeeze3A_779 = vector.extract %slice3A_778[0] : f32 from vector<1xf32>
    %add3A_780 = arith.addf %add3A_777, %squeeze3A_779 : f32
    %slice3A_781 = vector.extract_strided_slice %scan3A_40#7 {offsets = [3], sizes = [1], strides = [1]} : vector<16xf32> to vector<1xf32>
    %squeeze3A_782 = vector.extract %slice3A_781[0] : f32 from vector<1xf32>
    %add3A_783 = arith.addf %add3A_780, %squeeze3A_782 : f32
    %slice3A_784 = vector.extract_strided_slice %scan3A_40#7 {offsets = [4], sizes = [1], strides = [1]} : vector<16xf32> to vector<1xf32>
    %squeeze3A_785 = vector.extract %slice3A_784[0] : f32 from vector<1xf32>
    %add3A_786 = arith.addf %add3A_783, %squeeze3A_785 : f32
    %slice3A_787 = vector.extract_strided_slice %scan3A_40#7 {offsets = [5], sizes = [1], strides = [1]} : vector<16xf32> to vector<1xf32>
    %squeeze3A_788 = vector.extract %slice3A_787[0] : f32 from vector<1xf32>
    %add3A_789 = arith.addf %add3A_786, %squeeze3A_788 : f32
    %slice3A_790 = vector.extract_strided_slice %scan3A_40#7 {offsets = [6], sizes = [1], strides = [1]} : vector<16xf32> to vector<1xf32>
    %squeeze3A_791 = vector.extract %slice3A_790[0] : f32 from vector<1xf32>
    %add3A_792 = arith.addf %add3A_789, %squeeze3A_791 : f32
    %slice3A_793 = vector.extract_strided_slice %scan3A_40#7 {offsets = [7], sizes = [1], strides = [1]} : vector<16xf32> to vector<1xf32>
    %squeeze3A_794 = vector.extract %slice3A_793[0] : f32 from vector<1xf32>
    %add3A_795 = arith.addf %add3A_792, %squeeze3A_794 : f32
    %slice3A_796 = vector.extract_strided_slice %scan3A_40#7 {offsets = [8], sizes = [1], strides = [1]} : vector<16xf32> to vector<1xf32>
    %squeeze3A_797 = vector.extract %slice3A_796[0] : f32 from vector<1xf32>
    %add3A_798 = arith.addf %add3A_795, %squeeze3A_797 : f32
    %slice3A_799 = vector.extract_strided_slice %scan3A_40#7 {offsets = [9], sizes = [1], strides = [1]} : vector<16xf32> to vector<1xf32>
    %squeeze3A_800 = vector.extract %slice3A_799[0] : f32 from vector<1xf32>
    %add3A_801 = arith.addf %add3A_798, %squeeze3A_800 : f32
    %slice3A_802 = vector.extract_strided_slice %scan3A_40#7 {offsets = [10], sizes = [1], strides = [1]} : vector<16xf32> to vector<1xf32>
    %squeeze3A_803 = vector.extract %slice3A_802[0] : f32 from vector<1xf32>
    %add3A_804 = arith.addf %add3A_801, %squeeze3A_803 : f32
    %slice3A_805 = vector.extract_strided_slice %scan3A_40#7 {offsets = [11], sizes = [1], strides = [1]} : vector<16xf32> to vector<1xf32>
    %squeeze3A_806 = vector.extract %slice3A_805[0] : f32 from vector<1xf32>
    %add3A_807 = arith.addf %add3A_804, %squeeze3A_806 : f32
    %slice3A_808 = vector.extract_strided_slice %scan3A_40#7 {offsets = [12], sizes = [1], strides = [1]} : vector<16xf32> to vector<1xf32>
    %squeeze3A_809 = vector.extract %slice3A_808[0] : f32 from vector<1xf32>
    %add3A_810 = arith.addf %add3A_807, %squeeze3A_809 : f32
    %slice3A_811 = vector.extract_strided_slice %scan3A_40#7 {offsets = [13], sizes = [1], strides = [1]} : vector<16xf32> to vector<1xf32>
    %squeeze3A_812 = vector.extract %slice3A_811[0] : f32 from vector<1xf32>
    %add3A_813 = arith.addf %add3A_810, %squeeze3A_812 : f32
    %slice3A_814 = vector.extract_strided_slice %scan3A_40#7 {offsets = [14], sizes = [1], strides = [1]} : vector<16xf32> to vector<1xf32>
    %squeeze3A_815 = vector.extract %slice3A_814[0] : f32 from vector<1xf32>
    %add3A_816 = arith.addf %add3A_813, %squeeze3A_815 : f32
    %slice3A_817 = vector.extract_strided_slice %scan3A_40#7 {offsets = [15], sizes = [1], strides = [1]} : vector<16xf32> to vector<1xf32>
    %squeeze3A_818 = vector.extract %slice3A_817[0] : f32 from vector<1xf32>
    %add3A_819 = arith.addf %add3A_816, %squeeze3A_818 : f32
    %broadcast_in_dim3A_820 = vector.broadcast %add3A_819 : f32 to vector<16xf32>
    %select_n3A_821 = arith.select %eq3A_772, %broadcast_in_dim3A_820, %select_n3A_717 : vector<16xi1>, vector<16xf32>
    %eq3A_822 = arith.constant 7 : i32
    %eq3A_823 = vector.broadcast %eq3A_822 : i32 to vector<16xi32>
    %eq3A_824 = arith.cmpi eq, %iota3A, %eq3A_823 : vector<16xi32>
    %slice3A_825 = vector.extract_strided_slice %scan3A_40#15 {offsets = [0], sizes = [1], strides = [1]} : vector<16xf32> to vector<1xf32>
    %squeeze3A_826 = vector.extract %slice3A_825[0] : f32 from vector<1xf32>
    %slice3A_827 = vector.extract_strided_slice %scan3A_40#15 {offsets = [1], sizes = [1], strides = [1]} : vector<16xf32> to vector<1xf32>
    %squeeze3A_828 = vector.extract %slice3A_827[0] : f32 from vector<1xf32>
    %add3A_829 = arith.addf %squeeze3A_826, %squeeze3A_828 : f32
    %slice3A_830 = vector.extract_strided_slice %scan3A_40#15 {offsets = [2], sizes = [1], strides = [1]} : vector<16xf32> to vector<1xf32>
    %squeeze3A_831 = vector.extract %slice3A_830[0] : f32 from vector<1xf32>
    %add3A_832 = arith.addf %add3A_829, %squeeze3A_831 : f32
    %slice3A_833 = vector.extract_strided_slice %scan3A_40#15 {offsets = [3], sizes = [1], strides = [1]} : vector<16xf32> to vector<1xf32>
    %squeeze3A_834 = vector.extract %slice3A_833[0] : f32 from vector<1xf32>
    %add3A_835 = arith.addf %add3A_832, %squeeze3A_834 : f32
    %slice3A_836 = vector.extract_strided_slice %scan3A_40#15 {offsets = [4], sizes = [1], strides = [1]} : vector<16xf32> to vector<1xf32>
    %squeeze3A_837 = vector.extract %slice3A_836[0] : f32 from vector<1xf32>
    %add3A_838 = arith.addf %add3A_835, %squeeze3A_837 : f32
    %slice3A_839 = vector.extract_strided_slice %scan3A_40#15 {offsets = [5], sizes = [1], strides = [1]} : vector<16xf32> to vector<1xf32>
    %squeeze3A_840 = vector.extract %slice3A_839[0] : f32 from vector<1xf32>
    %add3A_841 = arith.addf %add3A_838, %squeeze3A_840 : f32
    %slice3A_842 = vector.extract_strided_slice %scan3A_40#15 {offsets = [6], sizes = [1], strides = [1]} : vector<16xf32> to vector<1xf32>
    %squeeze3A_843 = vector.extract %slice3A_842[0] : f32 from vector<1xf32>
    %add3A_844 = arith.addf %add3A_841, %squeeze3A_843 : f32
    %slice3A_845 = vector.extract_strided_slice %scan3A_40#15 {offsets = [7], sizes = [1], strides = [1]} : vector<16xf32> to vector<1xf32>
    %squeeze3A_846 = vector.extract %slice3A_845[0] : f32 from vector<1xf32>
    %add3A_847 = arith.addf %add3A_844, %squeeze3A_846 : f32
    %slice3A_848 = vector.extract_strided_slice %scan3A_40#15 {offsets = [8], sizes = [1], strides = [1]} : vector<16xf32> to vector<1xf32>
    %squeeze3A_849 = vector.extract %slice3A_848[0] : f32 from vector<1xf32>
    %add3A_850 = arith.addf %add3A_847, %squeeze3A_849 : f32
    %slice3A_851 = vector.extract_strided_slice %scan3A_40#15 {offsets = [9], sizes = [1], strides = [1]} : vector<16xf32> to vector<1xf32>
    %squeeze3A_852 = vector.extract %slice3A_851[0] : f32 from vector<1xf32>
    %add3A_853 = arith.addf %add3A_850, %squeeze3A_852 : f32
    %slice3A_854 = vector.extract_strided_slice %scan3A_40#15 {offsets = [10], sizes = [1], strides = [1]} : vector<16xf32> to vector<1xf32>
    %squeeze3A_855 = vector.extract %slice3A_854[0] : f32 from vector<1xf32>
    %add3A_856 = arith.addf %add3A_853, %squeeze3A_855 : f32
    %slice3A_857 = vector.extract_strided_slice %scan3A_40#15 {offsets = [11], sizes = [1], strides = [1]} : vector<16xf32> to vector<1xf32>
    %squeeze3A_858 = vector.extract %slice3A_857[0] : f32 from vector<1xf32>
    %add3A_859 = arith.addf %add3A_856, %squeeze3A_858 : f32
    %slice3A_860 = vector.extract_strided_slice %scan3A_40#15 {offsets = [12], sizes = [1], strides = [1]} : vector<16xf32> to vector<1xf32>
    %squeeze3A_861 = vector.extract %slice3A_860[0] : f32 from vector<1xf32>
    %add3A_862 = arith.addf %add3A_859, %squeeze3A_861 : f32
    %slice3A_863 = vector.extract_strided_slice %scan3A_40#15 {offsets = [13], sizes = [1], strides = [1]} : vector<16xf32> to vector<1xf32>
    %squeeze3A_864 = vector.extract %slice3A_863[0] : f32 from vector<1xf32>
    %add3A_865 = arith.addf %add3A_862, %squeeze3A_864 : f32
    %slice3A_866 = vector.extract_strided_slice %scan3A_40#15 {offsets = [14], sizes = [1], strides = [1]} : vector<16xf32> to vector<1xf32>
    %squeeze3A_867 = vector.extract %slice3A_866[0] : f32 from vector<1xf32>
    %add3A_868 = arith.addf %add3A_865, %squeeze3A_867 : f32
    %slice3A_869 = vector.extract_strided_slice %scan3A_40#15 {offsets = [15], sizes = [1], strides = [1]} : vector<16xf32> to vector<1xf32>
    %squeeze3A_870 = vector.extract %slice3A_869[0] : f32 from vector<1xf32>
    %add3A_871 = arith.addf %add3A_868, %squeeze3A_870 : f32
    %broadcast_in_dim3A_872 = vector.broadcast %add3A_871 : f32 to vector<16xf32>
    %select_n3A_873 = arith.select %eq3A_824, %broadcast_in_dim3A_872, %select_n3A_769 : vector<16xi1>, vector<16xf32>
    %swap3A = arith.constant 0 : index
    %swap3A_874 = tpu.vector_load %arg9[%swap3A] {strides = array<i32>} : memref<32xf32, #tpu.memory_space<vmem>>, vector<16xf32>,
    %swap3A_875 = vector.shape_cast %swap3A_874 : vector<16xf32> to vector<16xf32>
    %swap3A_876 = vector.shape_cast %select_n3A_821 : vector<16xf32> to vector<16xf32>
    tpu.vector_store %arg9[%swap3A], %swap3A_876 {strides = array<i32>} : memref<32xf32, #tpu.memory_space<vmem>>, vector<16xf32>,
    %swap3A_877 = arith.constant 16 : index
    %swap3A_878 = tpu.vector_load %arg9[%swap3A_877] {strides = array<i32>} : memref<32xf32, #tpu.memory_space<vmem>>, vector<16xf32>,
    %swap3A_879 = vector.shape_cast %swap3A_878 : vector<16xf32> to vector<16xf32>
    %swap3A_880 = vector.shape_cast %select_n3A_873 : vector<16xf32> to vector<16xf32>
    tpu.vector_store %arg9[%swap3A_877], %swap3A_880 {strides = array<i32>} : memref<32xf32, #tpu.memory_space<vmem>>, vector<16xf32>,
    "tpu.region"() ({
      %run_scoped3A = tpu.sem_alloc : memref<!tpu.dma_semaphore, #tpu.memory_space<semaphore_mem>>
      %dma_start3A = arith.constant 0 : i32
      %dma_start3A_881 = tpu.memref_slice %arg5[%add3A, %dma_start3A] : memref<32x32xf32, #tpu.memory_space<hbm>> -> memref<1x32xf32, #tpu.memory_space<hbm>>
      %dma_start3A_882 = tpu.memref_squeeze %dma_start3A_881 : memref<1x32xf32, #tpu.memory_space<hbm>> -> memref<32xf32, #tpu.memory_space<hbm>>
      %dma_start3A_883 = arith.constant 0 : i32
      %dma_start3A_884 = tpu.memref_slice %arg5[%add3A, %dma_start3A_883] : memref<32x32xf32, #tpu.memory_space<hbm>> -> memref<1x32xf32, #tpu.memory_space<hbm>>
      %dma_start3A_885 = tpu.memref_squeeze %dma_start3A_884 : memref<1x32xf32, #tpu.memory_space<hbm>> -> memref<32xf32, #tpu.memory_space<hbm>>
      tpu.enqueue_dma source(%arg9 : memref<32xf32, #tpu.memory_space<vmem>>) target(%dma_start3A_885 : memref<32xf32, #tpu.memory_space<hbm>>) target_semaphore(%run_scoped3A : memref<!tpu.dma_semaphore, #tpu.memory_space<semaphore_mem>>)
      %dma_wait3A = arith.constant 0 : i32
      %dma_wait3A_886 = tpu.memref_slice %arg5[%add3A, %dma_wait3A] : memref<32x32xf32, #tpu.memory_space<hbm>> -> memref<1x32xf32, #tpu.memory_space<hbm>>
      %dma_wait3A_887 = tpu.memref_squeeze %dma_wait3A_886 : memref<1x32xf32, #tpu.memory_space<hbm>> -> memref<32xf32, #tpu.memory_space<hbm>>
      %dma_wait3A_888 = arith.constant 0 : i32
      %dma_wait3A_889 = tpu.memref_slice %arg5[%add3A, %dma_wait3A_888] : memref<32x32xf32, #tpu.memory_space<hbm>> -> memref<1x32xf32, #tpu.memory_space<hbm>>
      %dma_wait3A_890 = tpu.memref_squeeze %dma_wait3A_889 : memref<1x32xf32, #tpu.memory_space<hbm>> -> memref<32xf32, #tpu.memory_space<hbm>>
      tpu.wait_dma2 semaphore(%run_scoped3A : memref<!tpu.dma_semaphore, #tpu.memory_space<semaphore_mem>>) src(%arg9 : memref<32xf32, #tpu.memory_space<vmem>>) dst(%dma_wait3A_890 : memref<32xf32, #tpu.memory_space<hbm>>)
      tpu.yield
    }) : () -> ()
    return
  }
}

module attributes {stable_mosaic.version = 14 : i64} {
  func.func @_tc_stats_body(%arg0: memref<32x32xf32, #tpu.memory_space<vmem>>, %arg1: memref<1x16xf32, #tpu.memory_space<vmem>>) attributes {dimension_semantics = [], scalar_prefetch = 0 : i64, scratch_operands = 0 : i64, tpu.core_type = #tpu.core_type<tc>} {
    %get3A = arith.constant 0 : index
    %get3A_0 = arith.constant 0 : index
    %get3A_1 = vector.load %arg0[%get3A, %get3A_0] : memref<32x32xf32, #tpu.memory_space<vmem>>, vector<32x32xf32>
    %slice3A = vector.extract_strided_slice %get3A_1 {offsets = [0, 0], sizes = [32, 16], strides = [1, 1]} : vector<32x32xf32> to vector<32x16xf32>
    %reduce_sum3A = arith.constant dense<0.000000e+00> : vector<16xf32>
    %reduce_sum3A_2 = vector.multi_reduction <add>, %slice3A, %reduce_sum3A [0] : vector<32x16xf32> to vector<16xf32>
    %broadcast_in_dim3A = vector.shape_cast %reduce_sum3A_2 : vector<16xf32> to vector<1x16xf32>
    %slice3A_3 = vector.extract_strided_slice %get3A_1 {offsets = [0, 16], sizes = [32, 16], strides = [1, 1]} : vector<32x32xf32> to vector<32x16xf32>
    %reduce_sum3A_4 = arith.constant dense<0.000000e+00> : vector<16xf32>
    %reduce_sum3A_5 = vector.multi_reduction <add>, %slice3A_3, %reduce_sum3A_4 [0] : vector<32x16xf32> to vector<16xf32>
    %broadcast_in_dim3A_6 = vector.shape_cast %reduce_sum3A_5 : vector<16xf32> to vector<1x16xf32>
    %div3A = arith.constant 3.276800e+04 : f32
    %div3A_7 = vector.broadcast %div3A : f32 to vector<1x16xf32>
    %div3A_8 = arith.divf %broadcast_in_dim3A, %div3A_7 : vector<1x16xf32>
    %mul3A = arith.mulf %broadcast_in_dim3A, %broadcast_in_dim3A_6 : vector<1x16xf32>
    %reduce_sum3A_9 = vector.shape_cast %mul3A : vector<1x16xf32> to vector<1x1x16xf32>
    %reduce_sum3A_10 = arith.constant dense<0.000000e+00> : vector<1xf32>
    %reduce_sum3A_11 = vector.multi_reduction <add>, %reduce_sum3A_9, %reduce_sum3A_10 [1, 2] : vector<1x1x16xf32> to vector<1xf32>
    %reduce_sum3A_12 = vector.shape_cast %reduce_sum3A_11 : vector<1xf32> to vector<1x1x1xf32>
    %reduce_sum3A_13 = vector.extract %reduce_sum3A_12[0, 0, 0] : f32 from vector<1x1x1xf32>
    %mul3A_14 = arith.constant 3.276800e+04 : f32
    %mul3A_15 = arith.constant 3.276800e+04 : f32
    %mul3A_16 = arith.mulf %mul3A_14, %mul3A_15 : f32
    %div3A_17 = arith.constant 8.000000e+00 : f32
    %div3A_18 = arith.divf %div3A_17, %mul3A_16 : f32
    %mul3A_19 = arith.mulf %reduce_sum3A_13, %div3A_18 : f32
    %gt3A = arith.constant 1.024000e+04 : f32
    %gt3A_20 = vector.broadcast %gt3A : f32 to vector<1x16xf32>
    %gt3A_21 = arith.cmpf ogt, %broadcast_in_dim3A, %gt3A_20 : vector<1x16xf32>
    %jit3A = arith.constant 1.000000e+00 : f32
    %jit3A_22 = arith.constant 0.000000e+00 : f32
    %broadcast_in_dim3A_23 = vector.broadcast %jit3A : f32 to vector<1x16xf32>
    %broadcast_in_dim3A_24 = vector.broadcast %jit3A_22 : f32 to vector<1x16xf32>
    %select_n3A = arith.select %gt3A_21, %broadcast_in_dim3A_23, %broadcast_in_dim3A_24 : vector<1x16xi1>, vector<1x16xf32>
    %reduce_sum3A_25 = vector.shape_cast %select_n3A : vector<1x16xf32> to vector<1x1x16xf32>
    %reduce_sum3A_26 = arith.constant dense<0.000000e+00> : vector<1xf32>
    %reduce_sum3A_27 = vector.multi_reduction <add>, %reduce_sum3A_25, %reduce_sum3A_26 [1, 2] : vector<1x1x16xf32> to vector<1xf32>
    %reduce_sum3A_28 = vector.shape_cast %reduce_sum3A_27 : vector<1xf32> to vector<1x1x1xf32>
    %reduce_sum3A_29 = vector.extract %reduce_sum3A_28[0, 0, 0] : f32 from vector<1x1x1xf32>
    %iota3A = tpu.iota {dimensions = array<i32: 1>} : vector<1x16xi32>
    %eq3A = arith.constant 8 : i32
    %eq3A_30 = vector.broadcast %eq3A : i32 to vector<1x16xi32>
    %eq3A_31 = arith.cmpi eq, %iota3A, %eq3A_30 : vector<1x16xi32>
    %broadcast_in_dim3A_32 = vector.broadcast %mul3A_19 : f32 to vector<1x16xf32>
    %select_n3A_33 = arith.select %eq3A_31, %broadcast_in_dim3A_32, %div3A_8 : vector<1x16xi1>, vector<1x16xf32>
    %eq3A_34 = arith.constant 9 : i32
    %eq3A_35 = vector.broadcast %eq3A_34 : i32 to vector<1x16xi32>
    %eq3A_36 = arith.cmpi eq, %iota3A, %eq3A_35 : vector<1x16xi32>
    %broadcast_in_dim3A_37 = vector.broadcast %reduce_sum3A_29 : f32 to vector<1x16xf32>
    %select_n3A_38 = arith.select %eq3A_36, %broadcast_in_dim3A_37, %select_n3A_33 : vector<1x16xi1>, vector<1x16xf32>
    %swap3A = arith.constant 0 : index
    %swap3A_39 = arith.constant 0 : index
    %swap3A_40 = vector.load %arg1[%swap3A, %swap3A_39] : memref<1x16xf32, #tpu.memory_space<vmem>>, vector<1x16xf32>
    tpu.vector_store %arg1[%swap3A, %swap3A_39], %select_n3A_38 {strides = array<i32>} : memref<1x16xf32, #tpu.memory_space<vmem>>, vector<1x16xf32>,
    return
  }
}

module attributes {stable_mosaic.version = 14 : i64} {
  func.func @_tc_gate_body(%arg0: i32, %arg1: memref<2048x768xf32, #tpu.memory_space<vmem>>, %arg2: memref<8x768xf32, #tpu.memory_space<vmem>>, %arg3: memref<8x2048xf32, #tpu.memory_space<vmem>>, %arg4: memref<1x1xf32, #tpu.memory_space<smem>>, %arg5: memref<1xf32, #tpu.memory_space<smem>>) attributes {dimension_semantics = [#tpu.dimension_semantics<arbitrary>], iteration_bounds = array<i64: 16>, scalar_prefetch = 0 : i64, scratch_operands = 1 : i64, tpu.core_type = #tpu.core_type<tc>, window_params = [{transform_indices = @transform_0, window_bounds = array<i64: 2048, 768>}, {pipeline_mode = #tpu.pipeline_mode<synchronous>, transform_indices = @transform_1, window_bounds = array<i64: 8, 768>}, {transform_indices = @transform_2, window_bounds = array<i64: 8, 2048>}, {transform_indices = @transform_3, window_bounds = array<i64: 1, 1>}]} {
    %get3A = arith.constant 0 : index
    %get3A_0 = arith.constant 0 : index
    %get3A_1 = vector.load %arg1[%get3A, %get3A_0] : memref<2048x768xf32, #tpu.memory_space<vmem>>, vector<2048x768xf32>
    %get3A_2 = arith.constant 0 : index
    %get3A_3 = arith.constant 0 : index
    %get3A_4 = vector.load %arg2[%get3A_2, %get3A_3] : memref<8x768xf32, #tpu.memory_space<vmem>>, vector<8x768xf32>
    %dot_general3A = arith.constant dense<0.000000e+00> : vector<8x2048xf32>
    %dot_general3A_5 = tpu.matmul %get3A_4, %get3A_1, %dot_general3A {dimension_numbers = #tpu.dot_dimension_numbers<[1], [1], [0], [0], [0, 0, 1, 0], [], []>, transpose_lhs_hint = false} : vector<8x768xf32>, vector<2048x768xf32>, vector<8x2048xf32> -> vector<8x2048xf32>
    %swap3A = arith.constant 0 : index
    %swap3A_6 = arith.constant 0 : index
    %swap3A_7 = vector.load %arg3[%swap3A, %swap3A_6] : memref<8x2048xf32, #tpu.memory_space<vmem>>, vector<8x2048xf32>
    tpu.vector_store %arg3[%swap3A, %swap3A_6], %dot_general3A_5 {strides = array<i32>} : memref<8x2048xf32, #tpu.memory_space<vmem>>, vector<8x2048xf32>,
    %reduce_max3A = arith.constant dense<0xFF800000> : vector<2048xf32>
    %reduce_max3A_8 = vector.multi_reduction <maximumf>, %dot_general3A_5, %reduce_max3A [0] : vector<8x2048xf32> to vector<2048xf32>
    %broadcast_in_dim3A = vector.shape_cast %reduce_max3A_8 : vector<2048xf32> to vector<1x2048xf32>
    %sub3A = vector.broadcast %broadcast_in_dim3A : vector<1x2048xf32> to vector<8x2048xf32>
    %sub3A_9 = arith.subf %dot_general3A_5, %sub3A : vector<8x2048xf32>
    %exp3A = math.exp %sub3A_9 : vector<8x2048xf32>
    %reduce_sum3A = arith.constant dense<0.000000e+00> : vector<2048xf32>
    %reduce_sum3A_10 = vector.multi_reduction <add>, %exp3A, %reduce_sum3A [0] : vector<8x2048xf32> to vector<2048xf32>
    %broadcast_in_dim3A_11 = vector.shape_cast %reduce_sum3A_10 : vector<2048xf32> to vector<1x2048xf32>
    %log3A = math.log %broadcast_in_dim3A_11 : vector<1x2048xf32>
    %mul3A = arith.mulf %exp3A, %sub3A_9 : vector<8x2048xf32>
    %reduce_sum3A_12 = arith.constant dense<0.000000e+00> : vector<2048xf32>
    %reduce_sum3A_13 = vector.multi_reduction <add>, %mul3A, %reduce_sum3A_12 [0] : vector<8x2048xf32> to vector<2048xf32>
    %broadcast_in_dim3A_14 = vector.shape_cast %reduce_sum3A_13 : vector<2048xf32> to vector<1x2048xf32>
    %div3A = arith.divf %broadcast_in_dim3A_14, %broadcast_in_dim3A_11 : vector<1x2048xf32>
    %sub3A_15 = arith.subf %log3A, %div3A : vector<1x2048xf32>
    %reduce_sum3A_16 = vector.shape_cast %sub3A_15 : vector<1x2048xf32> to vector<1x1x2048xf32>
    %reduce_sum3A_17 = arith.constant dense<0.000000e+00> : vector<1xf32>
    %reduce_sum3A_18 = vector.multi_reduction <add>, %reduce_sum3A_16, %reduce_sum3A_17 [1, 2] : vector<1x1x2048xf32> to vector<1xf32>
    %reduce_sum3A_19 = vector.shape_cast %reduce_sum3A_18 : vector<1xf32> to vector<1x1x1xf32>
    %reduce_sum3A_20 = vector.extract %reduce_sum3A_19[0, 0, 0] : f32 from vector<1x1x1xf32>
    %eq3A = arith.constant 0 : i32
    %eq3A_21 = arith.cmpi eq, %arg0, %eq3A : i32
    %get3A_22 = arith.constant 0 : index
    %get3A_23 = memref.load %arg5[%get3A_22] : memref<1xf32, #tpu.memory_space<smem>>
    %jit3A = arith.constant 0.000000e+00 : f32
    %select_n3A = arith.select %eq3A_21, %jit3A, %get3A_23 : f32
    %add3A = arith.addf %select_n3A, %reduce_sum3A_20 : f32
    %swap3A_24 = arith.constant 0 : index
    %swap3A_25 = memref.load %arg5[%swap3A_24] : memref<1xf32, #tpu.memory_space<smem>>
    memref.store %add3A, %arg5[%swap3A_24] : memref<1xf32, #tpu.memory_space<smem>>
    %eq3A_26 = arith.constant 15 : i32
    %eq3A_27 = arith.cmpi eq, %arg0, %eq3A_26 : i32
    %convert_element_type3A = arith.extui %eq3A_27 : i1 to i32
    %cond3A = arith.constant 0 : i32
    %cond3A_28 = arith.cmpi ne, %convert_element_type3A, %cond3A : i32
    scf.if %cond3A_28 {
      %log3A_29 = arith.constant 8.000000e+00 : f32
      %log3A_30 = math.log %log3A_29 : f32
      %div3A_31 = arith.constant 3.276800e+04 : f32
      %div3A_32 = arith.divf %add3A, %div3A_31 : f32
      %sub3A_33 = arith.subf %log3A_30, %div3A_32 : f32
      %max3A = arith.constant 0.000000e+00 : f32
      %max3A_34 = arith.maximumf %sub3A_33, %max3A : f32
      %swap3A_35 = arith.constant 0 : index
      %swap3A_36 = arith.constant 0 : index
      %swap3A_37 = memref.load %arg4[%swap3A_35, %swap3A_36] : memref<1x1xf32, #tpu.memory_space<smem>>
      memref.store %max3A_34, %arg4[%swap3A_35, %swap3A_36] : memref<1x1xf32, #tpu.memory_space<smem>>
    } else {
    }
    return
  }
  func.func @transform_0(%arg0: i32) -> (i32, i32) {
    %c0_i32 = arith.constant 0 : i32
    %c0_i32_0 = arith.constant 0 : i32
    return %arg0, %c0_i32 : i32, i32
  }
  func.func @transform_1(%arg0: i32) -> (i32, i32) {
    %c0_i32 = arith.constant 0 : i32
    %c0_i32_0 = arith.constant 0 : i32
    %c0_i32_1 = arith.constant 0 : i32
    return %c0_i32, %c0_i32_0 : i32, i32
  }
  func.func @transform_2(%arg0: i32) -> (i32, i32) {
    %c0_i32 = arith.constant 0 : i32
    %c0_i32_0 = arith.constant 0 : i32
    return %c0_i32, %arg0 : i32, i32
  }
  func.func @transform_3(%arg0: i32) -> (i32, i32) {
    %c0_i32 = arith.constant 0 : i32
    %c0_i32_0 = arith.constant 0 : i32
    %c0_i32_1 = arith.constant 0 : i32
    return %c0_i32, %c0_i32_0 : i32, i32
  }
}

</mosaic_0001>

<sc_bundles>
// kernel: kernel.5.cloned.1.call-start
scs
__scs_entry_jumppad:
0x0: {  	(pc) =	sbr.rel $0x88, $3  }
0x1: {  	(tag) =	ssettag $0x0;
	lr =	simm.s32 $0x1  }
0x2: {  	[smem:$0x3F9F] =	sst lr;
	_ =	strace $0xD0000000  }
0x3: {  	_ = 	snop  }
0x4: {  	_ = 	snop  }
0x5: {  	_ = 	snop  }
0x6: {  	_ = 	snop  }
0x7: {  	_ = 	snop  }
__scs_overlays_trampoline_lowered:
0x8: {  	[smem:$0x3FAE] =	sst s0  }
0x9: {  	[smem:$0x3FAF] =	sst s1  }
0xa: {  	[smem:$0x3FB0] =	sst s2  }
0xb: {  	[smem:$0x3FB1] =	sst s3  }
0xc: {  	[smem:$0x3FB2] =	sst s4  }
0xd: {  	[smem:$0x3FB3] =	sst s5  }
0xe: {  	[smem:$0x3FB4] =	sst s6  }
0xf: {  	[smem:$0x3FB5] =	sst s7  }
0x10: {  	[smem:$0x3FB6] =	sst s8  }
0x11: {  	[smem:$0x3FB7] =	sst s9;
	s0 =	simm.s32 @!p0 $0x0  }
0x12: {  	s1 =	sld [smem:$0x3F9D];
	s0 =	simm.s32 @p0 $0x1  }
0x13: {  	[smem:$0x3FB8] =	sst s0;
	s0 =	simm.s32 @!p1 $0x0  }
0x14: {  	s2 =	sld [smem:$0x3F9C];
	s0 =	simm.s32 @p1 $0x1  }
0x15: {  	[smem:$0x3FB9] =	sst s0;
	s0 =	simm.s32 @!p2 $0x0  }
0x16: {  	s3 =	sld [smem:$0x3FDB];
	s0 =	simm.s32 @p2 $0x1  }
0x17: {  	s4 =	simm.s32 $0x1BF5;
	[smem:$0x3FBB] =	sst s0  }
0x18: {  	s0 =	sld [smem:$0x3F9E];
	_ =	swait.ge [sflag:s4], $0x0  }
0x19: {  	s7 =	sld [smem:$0x3F9F]  }
0x1a: {  	s8 =	sadd.s32 $0xFFFFE003, lr  }
0x1b: {  	s9 =	sadd.s32 $0xFFFFFEF7, lr;
	s5 =	simm.s32 $0xFFFFFFFF;
	p2 =	slt.u32 s8, $0xFFFFF086  }
0x1c: {  	p1 =	slt.u32 s9, $0xF7A;
	s5 =	simm.s32 @!p2 $0x0  }
0x1d: {  	s5 =	simm.s32 @p1 $0x1;
	p0 =	seq.s32 s7, s2  }
0x1e: {  	s7 =	smul.u32 @!p0 $0xF7A, s2;
	p2 =	seq.s32 @!p0 s5, $0x0  }
0x1f: {  	s9 =	smul.u32 $0xF7A, s1;
	s8 =	simm.s32 @!p0 $0x1BF5;
	p2 =	por !p2, p0  }
0x20: {  	[sflag:s8] =	ssyncset.s32 @!p0 $0xFFFFF086;
	s6 =	sadd.s32 @!p0 s3, s7;
	s7 =	simm.s32 @!p0 $0x108  }
0x21: {  	s3 =	sadd.s32 s3, s9;
	s6 =	sadd.s32 @!p0 $0x88, s6;
	s7 =	simm.s32 @p2 $0x1082  }
0x22: {  	[simem:s7], [sflag:s8] =	dma.local @!p0 [hbm:s6], $0xF7A  }
0x23: {  	s9 =	sor.u32 $0xD0000000, s2;
	s6 =	simm.s32 $0x108;
	_ =	swait.ge @!p0 [sflag:s8], $0x0  }
0x24: {  	s3 =	sadd.s32 $0x88, s3;
	s6 =	simm.s32 @!p1 $0x1082;
	[sflag:s4] =	ssyncset.s32 $0xFFFFF086  }
0x25: {  	[simem:s6], [sflag:s4] =	dma.local [hbm:s3], $0xF7A  }
0x26: {  	[smem:$0x3F9F] =	sst s1;
	(tag) =	ssettag s2;
	_ =	strace s9  }
0x27: {  	s1 =	sld [smem:$0x3FAF]  }
0x28: {  	s2 =	sld [smem:$0x3FB0]  }
0x29: {  	s4 =	sld [smem:$0x3FB2]  }
0x2a: {  	p0 =	seq.s32 s5, $0x0;
	s5 =	sld [smem:$0x3FB3]  }
0x2b: {  	s6 =	sld [smem:$0x3FB4]  }
0x2c: {  	s7 =	sld [smem:$0x3FB5]  }
0x2d: {  	s3 =	simm.s32 $0x108;
	s8 =	sld [smem:$0x3FB6]  }
0x2e: {  	s3 =	simm.s32 @!p0 $0x1082;
	s9 =	sld [smem:$0x3FB7]  }
0x2f: {  	lr =	sadd.s32 s0, s3;
	s0 =	sld [smem:$0x3FAE]  }
0x30: {  	s3 =	sld [smem:$0x3FB1]  }
0x31: {  	[smem:$0x3FBA] =	sst s10  }
0x32: {  	s10 =	sld [smem:$0x3FB8];
	_ =	sdelay $0x3  }
0x33: {  	p0 =	seq.s32 s10, $0x1;
	s10 =	sld [smem:$0x3FBA];
	_ =	sdelay $0x3  }
0x34: {  	[smem:$0x3FBA] =	sst s10  }
0x35: {  	s10 =	sld [smem:$0x3FB9];
	_ =	sdelay $0x3  }
0x36: {  	p1 =	seq.s32 s10, $0x1;
	s10 =	sld [smem:$0x3FBA];
	_ =	sdelay $0x3  }
0x37: {  	[smem:$0x3FBA] =	sst s10  }
0x38: {  	s10 =	sld [smem:$0x3FBB]  }
0x39: {  	_ = 	snop;
	(pc) =	sbr.ind lr, $3  }
0x3a: {  	_ = 	snop  }
0x3b: {  	_ = 	snop  }
0x3c: {  	p2 =	seq.s32 s10, $0x1;
	s10 =	sld [smem:$0x3FBA]  }
0x3d: {  	_ =	shalt  }
0x3e: {  	_ =	shalt  }
0x3f: {  	_ =	shalt  }
0x40: {  	_ =	shalt  }
0x41: {  	_ =	shalt  }
0x42: {  	_ =	shalt  }
0x43: {  	_ =	shalt  }
0x44: {  	_ =	shalt  }
0x45: {  	_ =	shalt  }
0x46: {  	_ =	shalt  }
0x47: {  	_ =	shalt  }
0x48: {  	_ =	shalt  }
0x49: {  	_ =	shalt  }
0x4a: {  	_ =	shalt  }
0x4b: {  	_ =	shalt  }
0x4c: {  	_ =	shalt  }
0x4d: {  	_ =	shalt  }
0x4e: {  	_ =	shalt  }
0x4f: {  	_ =	shalt  }
0x50: {  	_ =	shalt  }
0x51: {  	_ =	shalt  }
0x52: {  	_ =	shalt  }
0x53: {  	_ =	shalt  }
0x54: {  	_ =	shalt  }
0x55: {  	_ =	shalt  }
0x56: {  	_ =	shalt  }
0x57: {  	_ =	shalt  }
0x58: {  	_ =	shalt  }
0x59: {  	_ =	shalt  }
0x5a: {  	_ =	shalt  }
0x5b: {  	_ =	shalt  }
0x5c: {  	_ =	shalt  }
0x5d: {  	_ =	shalt  }
0x5e: {  	_ =	shalt  }
0x5f: {  	_ =	shalt  }
0x60: {  	_ =	shalt  }
0x61: {  	_ =	shalt  }
0x62: {  	_ =	shalt  }
0x63: {  	_ =	shalt  }
0x64: {  	_ =	shalt  }
0x65: {  	_ =	shalt  }
0x66: {  	_ =	shalt  }
0x67: {  	_ =	shalt  }
0x68: {  	_ =	shalt  }
0x69: {  	_ =	shalt  }
0x6a: {  	_ =	shalt  }
0x6b: {  	_ =	shalt  }
0x6c: {  	_ =	shalt  }
0x6d: {  	_ =	shalt  }
0x6e: {  	_ =	shalt  }
0x6f: {  	_ =	shalt  }
0x70: {  	_ =	shalt  }
0x71: {  	_ =	shalt  }
0x72: {  	_ =	shalt  }
0x73: {  	_ =	shalt  }
0x74: {  	_ =	shalt  }
0x75: {  	_ =	shalt  }
0x76: {  	_ =	shalt  }
0x77: {  	_ =	shalt  }
0x78: {  	_ =	shalt  }
0x79: {  	_ =	shalt  }
0x7a: {  	_ =	shalt  }
0x7b: {  	_ =	shalt  }
0x7c: {  	_ =	shalt  }
0x7d: {  	_ =	shalt  }
0x7e: {  	_ =	shalt  }
0x7f: {  	_ =	shalt  }
0x80: {  	_ =	shalt  }
0x81: {  	_ =	shalt  }
0x82: {  	_ =	shalt  }
0x83: {  	_ =	shalt  }
0x84: {  	_ =	shalt  }
0x85: {  	_ =	shalt  }
0x86: {  	_ =	shalt  }
0x87: {  	_ =	shalt  }
.Lfunc_end0:
.L_simem_size_0:
called_computation_lowered:
.L_overlay_start_0:
0x88: {  	s2 =	sld [smem:$0x3FD9]  }
0x89: {  	s3 =	sld [smem:$0x3FFE];
	_ =	sdelay $0x1  }
0x8a: {  	s1 =	srdreg.scid  }
0x8b: {  	s0 =	sand.u32 $0x1, s1  }
0x8c: {  	s14 =	sshll.u32 s0, $0xA;
	s2 =	sadd.s32 s3, s2  }
0x8d: {  	s2 =	sadd.s32 s2, s14  }
0x8e: {  	[smem:$0x3FC6] =	sst s2  }
0x8f: {  	_ = 	snop  }
0x90: {  	s2 =	sld [smem:$0x3FD0];
	_ =	sdelay $0x2  }
0x91: {  	s15 =	simm.s32 $0xA;
	s4 =	simm.s32 $0x10  }
0x92: {  	[smem:s4], [sflag:s15] =	dma.local [hbm:s2], $0x1  }
0x93: {  	_ =	swait.eq [sflag:s15], $0x1  }
0x94: {  	s16 =	sld [smem:$0x10];
	[sflag:s15] =	ssyncset.done $0x0  }
0x95: {  	s17 =	sld [smem:$0x11];
	[sflag:s15] =	ssyncadd.s32 $0xFFFFFFFF  }
0x96: {  	s18 =	sld [smem:$0x12];
	(tm) =	ssettm $0x1  }
0x97: {  	s5 =	sld [smem:$0x3FFB];
	_ =	sdelay $0x3  }
0x98: {  	_ =	strace s5  }
0x99: {  	s5 =	sld [smem:$0x3FFC];
	_ =	sdelay $0x3  }
0x9a: {  	_ =	strace s5  }
0x9b: {  	s5 =	sld [smem:$0x3FFD];
	_ =	sdelay $0x3  }
0x9c: {  	_ =	strace s5  }
0x9d: {  	_ =	strace $0x8FFFFFFF  }
0x9e: {  	s19 =	sld [smem:$0x3FDB];
	_ =	sdelay $0x1  }
0x9f: {  	s6 =	simm.s32 $_scs_section_size  }
0xa0: {  	s7 =	simm.s32 $_size__tile_overlayer_lowered;
	s8 =	simm.s32 $_tile_overlayer_lowered  }
0xa1: {  	s22 =	simm.s32 $0x1BFF;
	s21 =	sshll.u32 s8, $0x1;
	s5 =	sadd.s32 s6, s19  }
0xa2: {  	s9 =	simm.s32 $0x0;
	s20 =	sshll.u32 s7, $0x1;
	s7 =	sadd.s32 s21, s5  }
0xa3: {  	[timem:s9], [sflag:s22] =	dma.local [hbm:s7], s20  }
0xa4: {  	_ =	swait.ge [sflag:s22], s20  }
0xa5: {  	s6 =	ssub.s32 $0x0, s20;
	[sflag:s22] =	ssyncset.done $0x0  }
0xa6: {  	[sflag:s22] =	ssyncadd.s32 s6;
	_ =	sdelay $0x1  }
0xa7: {  	s23 =	simm.s32 $0x1B8B  }
0xa8: {  	_ =	swait.ge [sflag:s23], $0x1  }
0xa9: {  	[sflag:s23] =	ssyncset.done $0x0  }
0xaa: {  	s25 =	simm.s32 $0x1B8E;
	s24 =	sld [smem:$0x3FFE];
	[sflag:s23] =	ssyncadd.s32 $0xFFFFFFFF  }
0xab: {  	s26 =	simm.s32 $execute0_lowered;
	[smem:$0x3FD2] =	sst s25  }
0xac: {  	s7 =	sshll.u32 s26, $0x1;
	_ =	strace $0x80000046;
	[dreg:$0x1] =	wrdreg $0xFFFFFFFF  }
0xad: {  	s28 =	simm.s32 $_size_execute0_lowered;
	s5 =	sadd.s32 s5, s7;
	[dreg:$0x0] =	wrdreg $0x0  }
0xae: {  	s7 =	sshll.u32 s28, $0x1;
	[dreg:$0x2] =	wrdreg s5  }
0xaf: {  	[dreg:$0x3] =	wrdreg s7  }
0xb0: {  	[dreg:$0x4] =	wrdreg $0xC0  }
0xb1: {  	_ =	task [dreg:s9], $0x5FFFF  }
0xb2: {  	[dreg:$0x1] =	wrdreg $0xFFFFFFFF  }
0xb3: {  	[dreg:$0x0] =	wrdreg $0x60  }
0xb4: {  	[dreg:$0x2] =	wrdreg s18  }
0xb5: {  	[dreg:$0x3] =	wrdreg s16  }
0xb6: {  	[dreg:$0x4] =	wrdreg s17  }
0xb7: {  	[dreg:$0x5] =	wrdreg s24  }
0xb8: {  	[dreg:$0x6] =	wrdreg $0x9  }
0xb9: {  	_ =	task.clear_ibuf [dreg:s9], $0x7FFFF;
	_ =	strace $0x90000046  }
0xba: {  	s29 =	simm.s32 $0x9;
	_ =	strace $0x80000048  }
0xbb: {  	_ =	swait.ge [sflag:s29], $0x1  }
0xbc: {  	[sflag:s29] =	ssyncadd.s32 $0xFFFFFFFF  }
0xbd: {  	_ =	strace $0x90000048  }
0xbe: {  	_ =	sfence  }
0xbf: {  	s30 =	sld [smem:$0x0];
	_ =	sdelay $0x2  }
0xc0: {  	s31 =	sshll.u32 s1, $0xD;
	s1 =	sshrl.u32 s1, $0x2  }
0xc1: {  	s3 =	sand.u32 $0x4000, s31;
	s1 =	sadd.s32 s1, s30  }
0xc2: {  	s0 =	sor.u32 s3, s0;
	s1 =	sshll.u32 s1, $0x11  }
0xc3: {  	s0 =	sor.u32 s1, s0  }
0xc4: {  	s0 =	sadd.s32 $0x8F2B, s0  }
0xc5: {  	[sflag:s0] =	ssyncadd.remote.s32 $0x1  }
0xc6: {  	_ =	sfence.sel $0xFFFF  }
0xc7: {  	[dreg:$0x0] =	wrdreg $0xFFFFFFFF;
	(pc) =	sbr.abs _section_cstart, $3  }
0xc8: {  	[dreg:$0x1] =	wrdreg $0xFFFFFFFF  }
0xc9: {  	_ =	task.clear_ibuf [dreg:s9], $0x2FFFF;
	_ =	strace $0x9FFFFFFF  }
0xca: {  	(tm) =	ssettm $0x7FFFFFFF  }
0xcb: {  	_ =	shalt  }
tec
execute0_lowered:
.L_overlay_start_1:
0x0: {  	(tag) =	ssettag $0x1  }
0x1: {  	s0 =	rddreg [dreg:$0x0]  }
0x2: {  	s1 =	rddreg [dreg:$0x1]  }
0x3: {  	s2 =	rddreg [dreg:$0x2]  }
0x4: {  	s3 =	rddreg [dreg:$0x3]  }
0x5: {  	s4 =	srdreg.scid;
	s5 =	stileid.u32  }
0x6: {  	s8 =	simm.s32 $0x0;
	s4 =	sand.u32 $0x1, s4;
	s5 =	sshll.u32 s5, $0x1  }
0x7: {  	[smem:$0x7FF] =	sst s8;
	s5 =	sor.u32 s4, s5  }
0x8: {  	_ =	strace $0x80000047;
	s4 =	ssub.s32 $0x2, s4;
	s7 =	sshll.u32 s5, $0xA  }
0x9: {  	s6 =	sshll.u32 s5, $0x4;
	s29 =	sshll.u32 s5, $0x8;
	s0 =	sadd.s32 s0, s7  }
0xa: {  	s28 =	sshrl.u32 s4, $0x1;
	s1 =	sadd.s32 s1, s29;
	[dreg:$0x5] =	wrdreg s0  }
0xb: {  	s3 =	sadd.s32 s6, s3;
	[dreg:$0x6] =	wrdreg s1;
	s0 =	sadd.s32 s2, s29  }
0xc: {  	s4 =	ssub.s32 s4, s28;
	s30 =	sadd.s32 $0x1000, s3;
	[dreg:$0x7] =	wrdreg s0  }
0xd: {  	s31 =	smax.u32 s4, $0x1;
	[dreg:$0x8] =	wrdreg s30  }
0xe: {  	v0 =	vimm.s32 $0x0;
	v1 =	vimm.f32 $0.0e+00;
	v2 =	vlaneseq.u32;
	s2 =	simm.s32 $0x1;
	s1 =	simm.s32 $0x0;
	[dreg:$0x9] =	wrdreg s31  }
.LBB2_1:
0xf: {  	[dreg:$0xa] =	wrdreg s1  }
0x10: {  	s0 =	rddreg [dreg:$0x5]  }
0x11: {  	[tilespmem:s8], [sflag:$0x1] =	stream.linear.gather [hbm4b:s0+s8], $0x2000, $0x38;
	[tilespmem:$0x3080] =	vst v63  }
0x12: {  	s30 =	simm.s32 $0x0;
	_ =	swait.ge [sflag:s2], $0x2000  }
0x13: {  	s13 =	sand.u32 $0x70, s8;
	s0 =	sand.u32 $0x3FFFFC00, s30;
	[sflag:s2] =	ssyncset.done $0x0  }
0x14: {  	s0 =	sor.u32 s13, s0;
	[sflag:s2] =	ssyncadd.s32 $0xFFFFE000  }
0x15: {  	v3 =	vld [tilespmem:s0+$0x0]  }
0x16: {  	v5 =	vld [tilespmem:s0+$0x80]  }
0x17: {  	v6 =	vld [tilespmem:s0+$0x100]  }
0x18: {  	v7 =	vld [tilespmem:s0+$0x180]  }
0x19: {  	v8 =	vld [tilespmem:s0+$0x200]  }
0x1a: {  	v9 =	vld [tilespmem:s0+$0x280]  }
0x1b: {  	v10 =	vld [tilespmem:s0+$0x300];
	v4 =	vmax.f32 v3, v5  }
0x1c: {  	v11 =	vld [tilespmem:s0+$0x380];
	v4 =	vmax.f32 v4, v6  }
0x1d: {  	v4 =	vmax.f32 v4, v7  }
0x1e: {  	v4 =	vmax.f32 v4, v8  }
0x1f: {  	v29 =	vimm.f32 $0.0e+00;
	v4 =	vmax.f32 v4, v9  }
0x20: {  	v35 =	vimm.f32 $0.0e+00;
	v31 =	vimm.f32 $0.0e+00;
	v4 =	vmax.f32 v4, v10  }
0x21: {  	v33 =	vimm.f32 $0.0e+00;
	v23 =	vimm.f32 $0.0e+00;
	v12 =	vmax.f32 v4, v11  }
0x22: {  	v27 =	vimm.f32 $0.0e+00;
	v4 =	vmax.f32 v3, $-1.000000020e+30;
	vm0 =	veq.f32 v11, v12  }
0x23: {  	v13 =	vsub.f32 v3, v12;
	v14 =	vsub.f32 v11, v12;
	vm1 =	veq.f32 v10, v12  }
0x24: {  	vm2 =	veq.f32 v6, v12;
	v15 =	vsub.f32 v6, v12;
	vm3 =	veq.f32 v9, v12  }
0x25: {  	v17 =	vsub.f32 v5, v12;
	v16 =	vsel vm0, $0x7, v0;
	vm0 =	vne.f32 v3, v12  }
0x26: {  	v13 =	vmul.f32 $1.442695020e+00, v13;
	v16 =	vsel vm1, $0x6, v16;
	v15 =	vmul.f32 $1.442695020e+00, v15  }
0x27: {  	vm1 =	veq.f32 v8, v12;
	v17 =	vmul.f32 $1.442695020e+00, v17;
	v14 =	vmul.f32 $1.442695020e+00, v14  }
0x28: {  	(erf) = vpow2.f32 v13;
	v13 =	vsel vm3, $0x5, v16;
	vm3 =	veq.f32 v7, v12  }
0x29: {  	v16 =	vsub.f32 v8, v12;
	v13 =	vsel vm1, $0x4, v13;
	vm1 =	veq.f32 v5, v12  }
0x2a: {  	(erf) = vpow2.f32 v15;
	v15 =	vsub.f32 v7, v12;
	v13 =	vsel vm3, $0x3, v13  }
0x2b: {  	(erf) = vpow2.f32 v17;
	v17 =	vsub.f32 v9, v12;
	v13 =	vsel vm2, $0x2, v13  }
0x2c: {  	vm2 =	vmand vm0, vm1;
	v15 =	vmul.f32 $1.442695020e+00, v15;
	(erf) = vpow2.f32 v14  }
0x2d: {  	v13 =	vsel vm1, $0x1, v13;
	v18 =	vsel vm2, $0xF149F2CA, v5;
	v14 =	vmul.f32 $1.442695020e+00, v17  }
0x2e: {  	v17 =	vsub.f32 v10, v12;
	(erf) = vpow2.f32 v15;
	v15 =	vmul.f32 $1.442695020e+00, v16  }
0x2f: {  	v30 =	vsel vm2, $0x3F800000, v1;
	v13 =	vnsel vm0, $0x0, v13;
	(erf) = vpow2.f32 v14  }
0x30: {  	vm0 =	veq.s32 v13, $0x6;
	v14 =	vmul.f32 $1.442695020e+00, v17;
	vm1 =	veq.s32 v13, $0x0  }
0x31: {  	vm2 =	vne.s32 v13, $0x1;
	vm5 =	veq.s32 v13, $0x2;
	vm6 =	veq.s32 v13, $0x3  }
0x32: {  	vm3 =	veq.s32 v13, $0x4;
	vm4 =	veq.s32 v13, $0x5;
	(erf) = vpow2.f32 v15;
	v15 =	vpop (erf)  }
0x33: {  	vm7 =	vne.s32 v13, $0x6;
	vm8 =	vne.s32 v13, $0x4;
	vm9 =	vne.s32 v13, $0x5;
	v26 =	vpop (erf)  }
0x34: {  	vm10 =	vne.s32 v13, $0x7;
	v4 =	vsel vm1, $0xF149F2CA, v4;
	v19 =	vsel vm5, $0xF149F2CA, v6;
	v34 =	vpop (erf)  }
0x35: {  	v4 =	vmax.f32 v4, v18;
	(erf) = vpow2.f32 v14;
	v14 =	vadd.f32 v34, v15  }
0x36: {  	v36 =	vsel vm1, $0x3F800000, v1;
	v17 =	vsel vm6, $0xF149F2CA, v7;
	v19 =	vmax.f32 v4, v19  }
0x37: {  	v16 =	vsel vm3, $0xF149F2CA, v8;
	v17 =	vmax.f32 v19, v17;
	v14 =	vadd.f32 v14, v26  }
0x38: {  	v28 =	vsel vm5, $0x3F800000, v1;
	v18 =	vsel vm4, $0xF149F2CA, v9;
	v16 =	vmax.f32 v17, v16  }
0x39: {  	v20 =	vsel vm0, $0xF149F2CA, v10;
	vm5 =	veq.s32 v13, $0x7;
	v4 =	vpop (erf);
	v16 =	vmax.f32 v16, v18  }
0x3a: {  	v25 =	vsel vm6, $0x3F800000, v1;
	v21 =	vsel vm5, $0xF149F2CA, v11;
	v16 =	vmax.f32 v16, v20;
	v22 =	vpop (erf)  }
0x3b: {  	v18 =	vimm.f32 $0.0e+00;
	v16 =	vmax.f32 v16, v21;
	v17 =	vadd.f32 v14, v22;
	v14 =	vpop (erf)  }
0x3c: {  	v21 =	vimm.f32 $0.0e+00;
	vm13 =	veq.f32 v11, v16;
	v12 =	vsub.f32 v16, v12;
	v19 =	vpop (erf)  }
0x3d: {  	vm14 =	veq.f32 v8, v16;
	vm11 =	veq.f32 v7, v16;
	v17 =	vadd.f32 v17, v19  }
0x3e: {  	s31 =	simm.s32 $0x0;
	vm15 =	veq.f32 v9, v16;
	vm12 =	veq.f32 v10, v16;
	vm6 =	vmand vm10, vm13  }
0x3f: {  	s0 =	sand.u32 $0xFFFFFF00, s31;
	vm8 =	vmand vm8, vm14;
	vm7 =	vmand vm7, vm12;
	v17 =	vadd.f32 v17, v14  }
0x40: {  	s15 =	sor.u32 s13, s0;
	vm13 =	vne.s32 v13, $0x3;
	vm14 =	veq.f32 v6, v16;
	vm12 =	vne.s32 v13, $0x2;
	v11 =	vpop (erf)  }
0x41: {  	[tilespmem:s15+$0x2800] =	vst v13;
	v13 =	vimm.f32 $0.0e+00;
	v7 =	vsel vm6, $0x7, v0;
	v8 =	vadd.f32 v17, v11  }
0x42: {  	v9 =	vmul.f32 $1.442695020e+00, v12;
	vm6 =	vmand vm9, vm15;
	vm15 =	vmand vm13, vm11  }
0x43: {  	vm13 =	veq.f32 v5, v16;
	v7 =	vsel vm7, $0x6, v7;
	v8 =	vadd.f32 v8, v4  }
0x44: {  	vm7 =	vmand vm12, vm14;
	(erf) = vpow2.f32 v9;
	v6 =	vsel vm6, $0x5, v7  }
0x45: {  	vm14 =	vne.f32 v3, v16;
	v6 =	vsel vm8, $0x4, v6;
	(erf) = vrcp.f32 v8  }
0x46: {  	vm2 =	vmand vm2, vm13;
	v16 =	vsel vm0, $0x3F800000, v1;
	v5 =	vsel vm15, $0x3, v6  }
0x47: {  	vm1 =	vmor vm1, vm14;
	v9 =	vsel vm5, $0x3F800000, v1;
	v3 =	vsel vm7, $0x2, v5  }
0x48: {  	v6 =	vsel vm4, $0x3F800000, v1;
	v5 =	vsel vm3, $0x3F800000, v1;
	v3 =	vsel vm2, $0x1, v3  }
0x49: {  	v12 =	vnsel vm1, $0x0, v3;
	vm1 =	vmand vm1, vm2;
	v17 =	vimm.f32 $0.0e+00  }
0x4a: {  	vm0 =	veq.s32 v12, $0x3;
	vm2 =	veq.s32 v12, $0x0;
	vm3 =	veq.s32 v12, $0x2  }
0x4b: {  	vm15 =	veq.s32 v12, $0x5;
	v32 =	vsel vm0, $0x3F800000, v1;
	vm0 =	veq.s32 v12, $0x4  }
0x4c: {  	v38 =	vsel vm2, $0x3F800000, v1;
	v37 =	vsel vm3, $0x3F800000, v1;
	v7 =	vsel vm0, $0x3F800000, v1  }
0x4d: {  	vm0 =	veq.s32 v12, $0x6;
	v3 =	vpop (erf);
	v24 =	vadd.f32 v7, v5;
	v5 =	vsel vm15, $0x3F800000, v1  }
0x4e: {  	v8 =	vimm.f32 $0.0e+00;
	v7 =	vimm.f32 $0.0e+00;
	v20 =	vadd.f32 v5, v6;
	v10 =	vpop (erf)  }
0x4f: {  	[tilespmem:s15+$0x2880] =	vst v12;
	v6 =	vimm.f32 $0.0e+00;
	v5 =	vimm.f32 $0.0e+00;
	v40 =	vmul.f32 v3, v10  }
0x50: {  	s0 =	simm.s32 $0x1;
	s13 =	simm.s32 $0x0;
	v39 =	vmul.f32 v10, v15;
	v15 =	vimm.f32 $0.0e+00;
	v3 =	vimm.f32 $0.0e+00;
	[tilespmem:s15+$0x2000] =	vst v10  }
.LBB2_2:
0x51: {  	s1 =	sshll.u32 s0, $0x7  }
0x52: {  	v36 =	vadd.f32 v38, v36;
	v34 =	vmul.f32 v10, v34;
	v26 =	vmul.f32 v10, v26;
	s13 =	sadd.s32 $0x10, s13;
	s17 =	smov.u32 s0;
	s14 =	sadd.s32 $0x1, s0  }
0x53: {  	p0 =	sne.s32 s0, $0x3F;
	v22 =	vmul.f32 v10, v22;
	v19 =	vmul.f32 v10, v19;
	vm2 =	veq.s32 v12, $0x7;
	s16 =	sand.u32 $0x70, s13;
	s1 =	sand.u32 $0x3FFFFC00, s1;
	[tilespmem:s15+$0x2080] =	vst v40  }
0x54: {  	v28 =	vadd.f32 v37, v28;
	v14 =	vmul.f32 v10, v14;
	s0 =	sor.u32 s16, s1;
	v29 =	vadd.f32 v34, v29  }
0x55: {  	v11 =	vmul.f32 v10, v11;
	v18 =	vadd.f32 v22, v18;
	v15 =	vadd.f32 v19, v15;
	v12 =	vld [tilespmem:s0+$0x0]  }
0x56: {  	v4 =	vmul.f32 v10, v4;
	v19 =	vadd.f32 v32, v25;
	v8 =	vadd.f32 v14, v8;
	v37 =	vld [tilespmem:s0+$0x80]  }
0x57: {  	v35 =	vadd.f32 v36, v35;
	v14 =	vsel vm1, $0x3F800000, v1;
	v6 =	vadd.f32 v11, v6;
	v10 =	vld [tilespmem:s0+$0x100]  }
0x58: {  	v22 =	vsel vm2, $0x3F800000, v1;
	v3 =	vadd.f32 v4, v3;
	v14 =	vadd.f32 v14, v30;
	v11 =	vld [tilespmem:s0+$0x180]  }
0x59: {  	v4 =	vsel vm0, $0x3F800000, v1;
	v21 =	vadd.f32 v19, v21;
	v19 =	vadd.f32 v22, v9;
	v32 =	vld [tilespmem:s0+$0x200]  }
0x5a: {  	v4 =	vadd.f32 v4, v16;
	v31 =	vadd.f32 v14, v31;
	v38 =	vld [tilespmem:s0+$0x280]  }
0x5b: {  	v17 =	vadd.f32 v24, v17;
	v33 =	vadd.f32 v39, v33;
	v9 =	vld [tilespmem:s0+$0x300];
	v14 =	vmax.f32 v12, v37  }
0x5c: {  	v23 =	vadd.f32 v26, v23;
	v5 =	vadd.f32 v19, v5;
	v16 =	vld [tilespmem:s0+$0x380];
	v14 =	vmax.f32 v14, v10  }
0x5d: {  	v13 =	vadd.f32 v20, v13;
	v7 =	vadd.f32 v4, v7;
	v14 =	vmax.f32 v14, v11  }
0x5e: {  	v27 =	vadd.f32 v28, v27;
	v4 =	vmax.f32 v14, v32  }
0x5f: {  	v4 =	vmax.f32 v4, v38  }
0x60: {  	v4 =	vmax.f32 v4, v9  }
0x61: {  	v20 =	vmax.f32 v4, v16;
	v4 =	vmax.f32 v12, $-1.000000020e+30  }
0x62: {  	vm0 =	veq.f32 v16, v20;
	v14 =	vsub.f32 v12, v20;
	v19 =	vsub.f32 v16, v20  }
0x63: {  	vm1 =	veq.f32 v9, v20;
	vm2 =	veq.f32 v10, v20;
	v22 =	vsub.f32 v10, v20  }
0x64: {  	v24 =	vsel vm0, $0x7, v0;
	vm0 =	vne.f32 v12, v20;
	v14 =	vmul.f32 $1.442695020e+00, v14  }
0x65: {  	v24 =	vsel vm1, $0x6, v24;
	vm1 =	veq.f32 v32, v20;
	v22 =	vmul.f32 $1.442695020e+00, v22  }
0x66: {  	vm3 =	veq.f32 v38, v20;
	v25 =	vsub.f32 v37, v20;
	(erf) = vpow2.f32 v14  }
0x67: {  	v14 =	vsel vm3, $0x5, v24;
	vm3 =	veq.f32 v11, v20;
	v24 =	vsub.f32 v32, v20  }
0x68: {  	v19 =	vmul.f32 $1.442695020e+00, v19;
	v14 =	vsel vm1, $0x4, v14;
	vm1 =	veq.f32 v37, v20  }
0x69: {  	v26 =	vsub.f32 v11, v20;
	v14 =	vsel vm3, $0x3, v14;
	(erf) = vpow2.f32 v22  }
0x6a: {  	v14 =	vsel vm2, $0x2, v14;
	vm2 =	vmand vm0, vm1;
	v22 =	vmul.f32 $1.442695020e+00, v25  }
0x6b: {  	s0 =	sshll.u32 s17, $0x5;
	v26 =	vmul.f32 $1.442695020e+00, v26;
	v14 =	vsel vm1, $0x1, v14;
	v25 =	vsel vm2, $0xF149F2CA, v37  }
0x6c: {  	s0 =	sand.u32 $0xFFFFFF00, s0;
	v28 =	vsub.f32 v38, v20;
	v34 =	vsub.f32 v9, v20;
	(erf) = vpow2.f32 v22  }
0x6d: {  	s15 =	sor.u32 s16, s0;
	v30 =	vsel vm2, $0x3F800000, v1;
	v39 =	vnsel vm0, $0x0, v14;
	(erf) = vpow2.f32 v19  }
0x6e: {  	v14 =	vmul.f32 $1.442695020e+00, v34;
	vm0 =	veq.s32 v39, $0x6;
	[tilespmem:s15+$0x2800] =	vst v39;
	(erf) = vpow2.f32 v26  }
0x6f: {  	vm1 =	veq.s32 v39, $0x0;
	vm2 =	vne.s32 v39, $0x1;
	v19 =	vmul.f32 $1.442695020e+00, v28;
	v41 =	vpop (erf)  }
0x70: {  	vm4 =	veq.s32 v39, $0x2;
	v22 =	vmul.f32 $1.442695020e+00, v24;
	v36 =	vsel vm1, $0x3F800000, v1  }
0x71: {  	vm7 =	veq.s32 v39, $0x3;
	vm6 =	veq.s32 v39, $0x4;
	(erf) = vpow2.f32 v19  }
0x72: {  	v28 =	vsel vm4, $0x3F800000, v1;
	v19 =	vsel vm6, $0xF149F2CA, v32;
	v26 =	vpop (erf);
	(erf) = vpow2.f32 v22  }
0x73: {  	vm3 =	veq.s32 v39, $0x5;
	v4 =	vsel vm1, $0xF149F2CA, v4;
	v22 =	vsel vm7, $0xF149F2CA, v11  }
0x74: {  	v24 =	vsel vm4, $0xF149F2CA, v10;
	v40 =	vsel vm3, $0xF149F2CA, v38;
	(erf) = vpow2.f32 v14  }
0x75: {  	vm4 =	veq.s32 v39, $0x7;
	v43 =	vmax.f32 v4, v25;
	v14 =	vsel vm0, $0xF149F2CA, v9;
	v34 =	vpop (erf)  }
0x76: {  	v42 =	vsel vm4, $0xF149F2CA, v16;
	v24 =	vmax.f32 v43, v24;
	v25 =	vadd.f32 v34, v41;
	v4 =	vpop (erf)  }
0x77: {  	vm5 =	vne.s32 v39, $0x6;
	vm8 =	vne.s32 v39, $0x4;
	v24 =	vmax.f32 v24, v22;
	v22 =	vpop (erf)  }
0x78: {  	vm9 =	vne.s32 v39, $0x5;
	v19 =	vmax.f32 v24, v19;
	v24 =	vadd.f32 v25, v26  }
0x79: {  	vm10 =	vne.s32 v39, $0x7;
	v44 =	vmax.f32 v19, v40;
	v25 =	vsel vm7, $0x3F800000, v1  }
0x7a: {  	v40 =	vsel vm6, $0x3F800000, v1;
	v43 =	vmax.f32 v44, v14;
	v24 =	vadd.f32 v24, v22;
	v14 =	vpop (erf)  }
0x7b: {  	v42 =	vmax.f32 v43, v42;
	v19 =	vpop (erf)  }
0x7c: {  	vm6 =	veq.f32 v16, v42;
	v20 =	vsub.f32 v42, v20;
	v16 =	vadd.f32 v24, v19  }
0x7d: {  	vm7 =	veq.f32 v32, v42;
	vm6 =	vmand vm10, vm6;
	vm10 =	veq.f32 v11, v42;
	v11 =	vpop (erf)  }
0x7e: {  	vm11 =	veq.f32 v38, v42;
	v20 =	vmul.f32 $1.442695020e+00, v20;
	v16 =	vadd.f32 v16, v14  }
0x7f: {  	vm7 =	vmand vm8, vm7;
	v24 =	vsel vm6, $0x7, v0;
	vm6 =	vmand vm9, vm11  }
0x80: {  	vm8 =	vne.s32 v39, $0x3;
	vm9 =	veq.f32 v10, v42;
	v10 =	vadd.f32 v16, v11  }
0x81: {  	vm8 =	vmand vm8, vm10;
	vm10 =	vne.s32 v39, $0x2;
	vm11 =	veq.f32 v9, v42  }
0x82: {  	vm5 =	vmand vm5, vm11;
	vm9 =	vmand vm10, vm9;
	v9 =	vadd.f32 v10, v4  }
0x83: {  	v10 =	vsel vm5, $0x6, v24;
	vm5 =	vne.f32 v12, v42;
	(erf) = vpow2.f32 v20  }
0x84: {  	v10 =	vsel vm6, $0x5, v10;
	vm6 =	veq.f32 v37, v42;
	(erf) = vrcp.f32 v9  }
0x85: {  	v20 =	vsel vm3, $0x3F800000, v1;
	v9 =	vsel vm7, $0x4, v10  }
0x86: {  	v10 =	vsel vm8, $0x3, v9;
	v9 =	vsel vm4, $0x3F800000, v1  }
0x87: {  	v16 =	vsel vm0, $0x3F800000, v1;
	vm2 =	vmand vm2, vm6;
	v10 =	vsel vm9, $0x2, v10  }
0x88: {  	vm0 =	vmor vm1, vm5;
	v10 =	vsel vm2, $0x1, v10  }
0x89: {  	vm1 =	vmand vm0, vm2;
	v12 =	vnsel vm0, $0x0, v10  }
.Ltmp0:
0x8a: {  	vm0 =	veq.s32 v12, $0x0;
	vm2 =	veq.s32 v12, $0x2;
	vm3 =	veq.s32 v12, $0x3;
	[tilespmem:s15+$0x2880] =	vst v12;
	(pc) =	sbr.rel @p0 .LBB2_2-.Ltmp0, $4  }
0x8b: {  	vm4 =	veq.s32 v12, $0x5;
	v32 =	vsel vm3, $0x3F800000, v1;
	vm3 =	veq.s32 v12, $0x4  }
0x8c: {  	v38 =	vsel vm0, $0x3F800000, v1;
	vm0 =	veq.s32 v12, $0x6;
	v43 =	vsel vm3, $0x3F800000, v1;
	v39 =	vpop (erf)  }
0x8d: {  	v37 =	vsel vm2, $0x3F800000, v1;
	v42 =	vsel vm4, $0x3F800000, v1;
	v24 =	vadd.f32 v43, v40;
	v10 =	vpop (erf)  }
0x8e: {  	s0 =	smov.u32 s14;
	v20 =	vadd.f32 v42, v20;
	v40 =	vmul.f32 v39, v10;
	v39 =	vmul.f32 v10, v41;
	[tilespmem:s15+$0x2000] =	vst v10  }
0x8f: {  	_ = 	snop  }
0x90: {  	s0 =	rddreg [dreg:$0x6];
	s1 =	simm.s32 $0x2000;
	[tilespmem:s15+$0x2080] =	vst v40  }
0x91: {  	[hbm4b:s0+s8] =	stream.linear.scatter [tilespmem:s1], [sflag:$0x1], $0x800, $0x38;
	[tilespmem:$0x3080] =	vst v63  }
0x92: {  	_ =	swait.ge [sflag:s2], $0x800  }
0x93: {  	v36 =	vadd.f32 v38, v36;
	[sflag:s2] =	ssyncset.done $0x0  }
0x94: {  	s30 =	simm.s32 $0x2800;
	s29 =	rddreg [dreg:$0x7];
	[sflag:s2] =	ssyncadd.s32 $0xFFFFF800  }
0x95: {  	v35 =	vadd.f32 v36, v35;
	[hbm4b:s29+s8] =	stream.linear.scatter [tilespmem:s30], [sflag:$0x1], $0x800, $0x38;
	[tilespmem:$0x3080] =	vst v63  }
0x96: {  	_ =	swait.ge [sflag:s2], $0x800  }
0x97: {  	(v2sf) =	vpush v35, $0x0  }
0x98: {  	(v2sf) =	vpush v35, $0x1;
	_ =	sdelay $0x1  }
0x99: {  	(v2sf) =	vpush v35, $0x2  }
0x9a: {  	(v2sf) =	vpush v35, $0x3  }
0x9b: {  	(v2sf) =	vpush v35, $0x4  }
0x9c: {  	(v2sf) =	vpush v35, $0x5  }
0x9d: {  	(v2sf) =	vpush v35, $0x6  }
0x9e: {  	(v2sf) =	vpush v35, $0x7;
	_ =	sdelay $0x1  }
0x9f: {  	(v2sf) =	vpush v35, $0x8;
	_ =	sdelay $0x4  }
0xa0: {  	s4 =	spop (v2sf)  }
0xa1: {  	s7 =	spop (v2sf);
	(v2sf) =	vpush v35, $0x9  }
0xa2: {  	(v2sf) =	vpush v35, $0xA  }
0xa3: {  	s31 =	spop (v2sf);
	(v2sf) =	vpush v35, $0xB  }
0xa4: {  	s13 =	spop (v2sf);
	(v2sf) =	vpush v35, $0xC  }
0xa5: {  	s29 =	spop (v2sf);
	(v2sf) =	vpush v35, $0xD  }
0xa6: {  	v33 =	vadd.f32 v39, v33;
	s3 =	spop (v2sf);
	(v2sf) =	vpush v35, $0xE  }
0xa7: {  	s17 =	spop (v2sf);
	(v2sf) =	vpush v35, $0xF  }
0xa8: {  	s16 =	spop (v2sf);
	(v2sf) =	vpush v33, $0x0;
	_ =	sdelay $0x1  }
0xa9: {  	s15 =	spop (v2sf);
	(v2sf) =	vpush v33, $0x1  }
0xaa: {  	(v2sf) =	vpush v33, $0x2  }
0xab: {  	(v2sf) =	vpush v33, $0x3  }
0xac: {  	(v2sf) =	vpush v33, $0x4  }
0xad: {  	(v2sf) =	vpush v33, $0x5  }
0xae: {  	(v2sf) =	vpush v33, $0x6  }
0xaf: {  	(v2sf) =	vpush v33, $0x7;
	s30 =	spop (v2sf)  }
0xb0: {  	(v2sf) =	vpush v33, $0x8;
	s28 =	spop (v2sf)  }
0xb1: {  	(v2sf) =	vpush v33, $0x9;
	s23 =	spop (v2sf)  }
0xb2: {  	(v2sf) =	vpush v33, $0xA;
	s22 =	spop (v2sf)  }
0xb3: {  	v57 =	vsel vm1, $0x3F800000, v1;
	(v2sf) =	vpush v33, $0xB;
	s20 =	spop (v2sf)  }
0xb4: {  	v30 =	vadd.f32 v57, v30;
	(v2sf) =	vpush v33, $0xC;
	s19 =	spop (v2sf)  }
0xb5: {  	[sflag:s2] =	ssyncset.done $0x0;
	(v2sf) =	vpush v33, $0xD;
	[dreg:$0x16] =	wrdreg s19;
	s21 =	spop (v2sf)  }
0xb6: {  	v30 =	vadd.f32 v30, v31;
	[sflag:s2] =	ssyncadd.s32 $0xFFFFF800;
	(v2sf) =	vpush v33, $0xE;
	[dreg:$0x15] =	wrdreg s21;
	s9 =	spop (v2sf)  }
0xb7: {  	(v2sf) =	vpush v33, $0xF  }
0xb8: {  	s11 =	spop (v2sf);
	(v2sf) =	vpush v30, $0x0  }
0xb9: {  	s21 =	spop (v2sf);
	(v2sf) =	vpush v30, $0x1;
	s9 =	sadd.f32 s11, s9  }
0xba: {  	s24 =	spop (v2sf);
	(v2sf) =	vpush v30, $0x2  }
0xbb: {  	s25 =	spop (v2sf);
	(v2sf) =	vpush v30, $0x3;
	s21 =	sadd.f32 s9, s21  }
0xbc: {  	s18 =	spop (v2sf);
	(v2sf) =	vpush v30, $0x4  }
0xbd: {  	s19 =	spop (v2sf);
	s21 =	sadd.f32 s21, s24  }
0xbe: {  	(v2sf) =	vpush v30, $0x5;
	s10 =	spop (v2sf)  }
0xbf: {  	(v2sf) =	vpush v30, $0x6;
	s0 =	spop (v2sf);
	s21 =	sadd.f32 s21, s25  }
0xc0: {  	(v2sf) =	vpush v30, $0x7;
	s12 =	spop (v2sf)  }
0xc1: {  	(v2sf) =	vpush v30, $0x8;
	s8 =	spop (v2sf);
	s18 =	sadd.f32 s21, s18  }
0xc2: {  	(v2sf) =	vpush v30, $0x9;
	s2 =	spop (v2sf)  }
0xc3: {  	(v2sf) =	vpush v30, $0xA;
	s6 =	spop (v2sf);
	s18 =	sadd.f32 s18, s19  }
0xc4: {  	s4 =	sadd.f32 s7, s4;
	s5 =	spop (v2sf)  }
0xc5: {  	s14 =	spop (v2sf);
	s10 =	sadd.f32 s18, s10  }
0xc6: {  	s1 =	sadd.f32 s4, s31;
	(v2sf) =	vpush v30, $0xB;
	s26 =	spop (v2sf)  }
0xc7: {  	(v2sf) =	vpush v30, $0xC;
	s11 =	spop (v2sf);
	s0 =	sadd.f32 s10, s0  }
0xc8: {  	s31 =	sadd.f32 s1, s13;
	(v2sf) =	vpush v30, $0xD;
	s7 =	spop (v2sf)  }
0xc9: {  	s9 =	spop (v2sf);
	s0 =	sadd.f32 s0, s12  }
0xca: {  	s1 =	sadd.f32 s31, s29;
	(v2sf) =	vpush v30, $0xE;
	s13 =	spop (v2sf)  }
0xcb: {  	s24 =	spop (v2sf);
	s0 =	sadd.f32 s0, s8  }
0xcc: {  	[dreg:$0x19] =	wrdreg s24  }
0xcd: {  	v58 =	vmul.f32 v10, v34;
	s31 =	spop (v2sf);
	s24 =	sadd.f32 s1, s3  }
0xce: {  	(v2sf) =	vpush v30, $0xF;
	s29 =	spop (v2sf);
	s0 =	sadd.f32 s0, s2  }
0xcf: {  	v29 =	vadd.f32 v58, v29;
	s25 =	spop (v2sf);
	s17 =	sadd.f32 s24, s17  }
0xd0: {  	s21 =	spop (v2sf);
	s0 =	sadd.f32 s0, s6  }
0xd1: {  	(v2sf) =	vpush v29, $0x0;
	s24 =	spop (v2sf);
	s16 =	sadd.f32 s17, s16  }
0xd2: {  	(v2sf) =	vpush v29, $0x1;
	s3 =	spop (v2sf);
	s0 =	sadd.f32 s0, s5  }
0xd3: {  	[dreg:$0x18] =	wrdreg s3  }
0xd4: {  	s15 =	sadd.f32 s16, s15  }
0xd5: {  	s17 =	spop (v2sf);
	s0 =	sadd.f32 s0, s14  }
0xd6: {  	(v2sf) =	vpush v29, $0x2;
	s18 =	spop (v2sf);
	s19 =	sadd.f32 s15, s30  }
0xd7: {  	s4 =	spop (v2sf);
	s15 =	rddreg [dreg:$0x16]  }
0xd8: {  	[dreg:$0x13] =	wrdreg s4  }
0xd9: {  	(v2sf) =	vpush v29, $0x3;
	s16 =	spop (v2sf);
	s0 =	sadd.f32 s0, s26  }
0xda: {  	[dreg:$0x12] =	wrdreg s16  }
0xdb: {  	(v2sf) =	vpush v29, $0x4;
	s10 =	sadd.f32 s19, s28  }
0xdc: {  	s16 =	rddreg [dreg:$0x15]  }
0xdd: {  	s3 =	spop (v2sf);
	s19 =	sadd.f32 s7, s11  }
0xde: {  	(v2sf) =	vpush v29, $0x5;
	[dreg:$0x11] =	wrdreg s3  }
0xdf: {  	[dreg:$0xb] =	wrdreg s0  }
0xe0: {  	(v2sf) =	vpush v29, $0x6;
	s30 =	spop (v2sf);
	s4 =	sadd.f32 s10, s23  }
0xe1: {  	(v2sf) =	vpush v29, $0x7;
	s28 =	spop (v2sf);
	s0 =	sadd.f32 s19, s9  }
0xe2: {  	(v2sf) =	vpush v29, $0x8;
	s26 =	sadd.f32 s28, s30  }
0xe3: {  	(v2sf) =	vpush v29, $0x9;
	s28 =	rddreg [dreg:$0x19]  }
0xe4: {  	(v2sf) =	vpush v29, $0xA;
	s12 =	sadd.f32 s4, s22  }
0xe5: {  	(v2sf) =	vpush v29, $0xB;
	s1 =	spop (v2sf);
	s0 =	sadd.f32 s0, s13  }
0xe6: {  	v28 =	vadd.f32 v37, v28;
	(v2sf) =	vpush v29, $0xC;
	s1 =	sadd.f32 s26, s1  }
0xe7: {  	(v2sf) =	vpush v29, $0xD;
	s2 =	sadd.f32 s12, s20  }
0xe8: {  	v27 =	vadd.f32 v28, v27;
	(v2sf) =	vpush v29, $0xE;
	s10 =	spop (v2sf);
	s0 =	sadd.f32 s0, s28  }
0xe9: {  	(v2sf) =	vpush v29, $0xF;
	s1 =	sadd.f32 s1, s10  }
0xea: {  	(v2sf) =	vpush v27, $0x0;
	s23 =	spop (v2sf);
	s2 =	sadd.f32 s2, s15  }
0xeb: {  	(v2sf) =	vpush v27, $0x1;
	s23 =	sadd.f32 s1, s23  }
0xec: {  	s1 =	sadd.f32 s0, s31  }
0xed: {  	(v2sf) =	vpush v27, $0x2;
	s22 =	spop (v2sf);
	s2 =	sadd.f32 s2, s16  }
0xee: {  	(v2sf) =	vpush v27, $0x3;
	s22 =	sadd.f32 s23, s22  }
0xef: {  	(v2sf) =	vpush v27, $0x4;
	s3 =	spop (v2sf);
	s19 =	sadd.f32 s1, s29  }
0xf0: {  	(v2sf) =	vpush v27, $0x5;
	s4 =	spop (v2sf);
	s1 =	rddreg [dreg:$0x18]  }
0xf1: {  	(v2sf) =	vpush v27, $0x6;
	s5 =	spop (v2sf);
	[dreg:$0xc] =	wrdreg s2  }
0xf2: {  	(v2sf) =	vpush v27, $0x7;
	s20 =	spop (v2sf);
	s3 =	sadd.f32 s22, s3  }
0xf3: {  	(v2sf) =	vpush v27, $0x8;
	s12 =	spop (v2sf);
	s26 =	sadd.f32 s19, s25  }
0xf4: {  	(v2sf) =	vpush v27, $0x9;
	s8 =	spop (v2sf);
	s3 =	sadd.f32 s3, s4  }
0xf5: {  	(v2sf) =	vpush v27, $0xA;
	s2 =	spop (v2sf);
	s0 =	sadd.f32 s26, s21  }
0xf6: {  	(v2sf) =	vpush v27, $0xB;
	s7 =	spop (v2sf);
	s3 =	sadd.f32 s3, s5  }
0xf7: {  	v26 =	vmul.f32 v10, v26;
	(v2sf) =	vpush v27, $0xC;
	s11 =	spop (v2sf);
	s4 =	sadd.f32 s0, s24  }
0xf8: {  	(v2sf) =	vpush v27, $0xD;
	s14 =	spop (v2sf);
	s24 =	rddreg [dreg:$0x13]  }
0xf9: {  	v23 =	vadd.f32 v26, v23;
	(v2sf) =	vpush v27, $0xE;
	s30 =	spop (v2sf);
	s3 =	sadd.f32 s3, s20  }
0xfa: {  	(v2sf) =	vpush v27, $0xF;
	s6 =	spop (v2sf);
	s4 =	sadd.f32 s4, s1  }
0xfb: {  	(v2sf) =	vpush v23, $0x0;
	s6 =	sadd.f32 s6, s30  }
0xfc: {  	(v2sf) =	vpush v23, $0x1;
	s10 =	spop (v2sf);
	s3 =	sadd.f32 s3, s12  }
0xfd: {  	(v2sf) =	vpush v23, $0x2;
	s13 =	spop (v2sf);
	s4 =	sadd.f32 s4, s17  }
0xfe: {  	(v2sf) =	vpush v23, $0x3;
	s9 =	spop (v2sf);
	s6 =	sadd.f32 s6, s10  }
0xff: {  	(v2sf) =	vpush v23, $0x4;
	s15 =	spop (v2sf);
	s3 =	sadd.f32 s3, s8  }
0x100: {  	(v2sf) =	vpush v23, $0x5;
	s16 =	spop (v2sf);
	s4 =	sadd.f32 s4, s18  }
0x101: {  	(v2sf) =	vpush v23, $0x6;
	s31 =	spop (v2sf);
	s2 =	sadd.f32 s3, s2  }
0x102: {  	(v2sf) =	vpush v23, $0x7;
	s29 =	spop (v2sf);
	s4 =	sadd.f32 s4, s24  }
0x103: {  	(v2sf) =	vpush v23, $0x8;
	s28 =	spop (v2sf);
	s2 =	sadd.f32 s2, s7  }
0x104: {  	(v2sf) =	vpush v23, $0x9;
	s19 =	spop (v2sf);
	s7 =	rddreg [dreg:$0x12]  }
0x105: {  	(v2sf) =	vpush v23, $0xA;
	s25 =	spop (v2sf);
	s4 =	sadd.f32 s4, s7  }
0x106: {  	(v2sf) =	vpush v23, $0xB;
	s23 =	spop (v2sf);
	s2 =	sadd.f32 s2, s11  }
0x107: {  	v25 =	vadd.f32 v32, v25;
	s11 =	rddreg [dreg:$0x11];
	(v2sf) =	vpush v23, $0xC;
	s22 =	spop (v2sf)  }
0x108: {  	s4 =	sadd.f32 s4, s11;
	(v2sf) =	vpush v23, $0xD;
	s20 =	spop (v2sf)  }
0x109: {  	v21 =	vadd.f32 v25, v21;
	s2 =	sadd.f32 s2, s14;
	(v2sf) =	vpush v23, $0xE;
	s5 =	spop (v2sf)  }
0x10a: {  	[dreg:$0x14] =	wrdreg s5;
	(v2sf) =	vpush v23, $0xF;
	s5 =	spop (v2sf)  }
0x10b: {  	s14 =	sadd.f32 s6, s13;
	(v2sf) =	vpush v21, $0x0;
	s12 =	spop (v2sf)  }
0x10c: {  	[dreg:$0xe] =	wrdreg s4;
	(v2sf) =	vpush v21, $0x1;
	s8 =	spop (v2sf)  }
0x10d: {  	[dreg:$0xd] =	wrdreg s2;
	(v2sf) =	vpush v21, $0x2;
	s18 =	spop (v2sf)  }
0x10e: {  	s5 =	sadd.f32 s12, s5;
	(v2sf) =	vpush v21, $0x3;
	s21 =	spop (v2sf)  }
0x10f: {  	s9 =	sadd.f32 s14, s9;
	(v2sf) =	vpush v21, $0x4;
	s26 =	spop (v2sf)  }
0x110: {  	s5 =	sadd.f32 s5, s8;
	(v2sf) =	vpush v21, $0x5;
	s24 =	spop (v2sf)  }
0x111: {  	s9 =	sadd.f32 s9, s15;
	(v2sf) =	vpush v21, $0x6;
	s0 =	spop (v2sf)  }
0x112: {  	s5 =	sadd.f32 s5, s18;
	(v2sf) =	vpush v21, $0x7;
	s1 =	spop (v2sf)  }
0x113: {  	s16 =	sadd.f32 s9, s16;
	(v2sf) =	vpush v21, $0x8;
	s4 =	spop (v2sf)  }
0x114: {  	s3 =	sadd.f32 s5, s21;
	(v2sf) =	vpush v21, $0x9;
	s2 =	spop (v2sf)  }
0x115: {  	s16 =	sadd.f32 s16, s31;
	(v2sf) =	vpush v21, $0xA;
	s17 =	spop (v2sf)  }
0x116: {  	s26 =	sadd.f32 s3, s26;
	(v2sf) =	vpush v21, $0xB;
	s12 =	spop (v2sf)  }
0x117: {  	v22 =	vmul.f32 v10, v22;
	s5 =	sadd.f32 s16, s29;
	(v2sf) =	vpush v21, $0xC;
	s11 =	spop (v2sf)  }
0x118: {  	s3 =	sadd.f32 s26, s24;
	(v2sf) =	vpush v21, $0xD;
	s10 =	spop (v2sf)  }
0x119: {  	v18 =	vadd.f32 v22, v18;
	s21 =	sadd.f32 s5, s28;
	(v2sf) =	vpush v21, $0xE;
	s30 =	spop (v2sf)  }
0x11a: {  	s18 =	sadd.f32 s3, s0;
	(v2sf) =	vpush v21, $0xF;
	s6 =	spop (v2sf)  }
0x11b: {  	s0 =	sadd.f32 s21, s19;
	(v2sf) =	vpush v18, $0x0;
	s8 =	spop (v2sf)  }
0x11c: {  	s19 =	rddreg [dreg:$0x14];
	(v2sf) =	vpush v18, $0x1;
	s7 =	spop (v2sf)  }
0x11d: {  	s1 =	sadd.f32 s18, s1;
	(v2sf) =	vpush v18, $0x2;
	s14 =	spop (v2sf)  }
0x11e: {  	s3 =	sadd.f32 s0, s25;
	(v2sf) =	vpush v18, $0x3;
	s15 =	spop (v2sf)  }
0x11f: {  	s1 =	sadd.f32 s1, s4;
	(v2sf) =	vpush v18, $0x4;
	s9 =	spop (v2sf)  }
0x120: {  	s6 =	sadd.f32 s8, s6;
	(v2sf) =	vpush v18, $0x5;
	s13 =	spop (v2sf)  }
0x121: {  	s1 =	sadd.f32 s1, s2;
	(v2sf) =	vpush v18, $0x6;
	s24 =	spop (v2sf)  }
0x122: {  	s2 =	sadd.f32 s3, s23;
	(v2sf) =	vpush v18, $0x7;
	s26 =	spop (v2sf)  }
0x123: {  	s6 =	sadd.f32 s6, s7;
	(v2sf) =	vpush v18, $0x8;
	s31 =	spop (v2sf)  }
0x124: {  	s1 =	sadd.f32 s1, s17;
	(v2sf) =	vpush v18, $0x9;
	s16 =	spop (v2sf)  }
0x125: {  	s2 =	sadd.f32 s2, s22;
	(v2sf) =	vpush v18, $0xA;
	s29 =	spop (v2sf)  }
0x126: {  	s6 =	sadd.f32 s6, s14;
	(v2sf) =	vpush v18, $0xB;
	s28 =	spop (v2sf)  }
0x127: {  	s1 =	sadd.f32 s1, s12;
	(v2sf) =	vpush v18, $0xC;
	s18 =	spop (v2sf)  }
0x128: {  	s2 =	sadd.f32 s2, s20;
	(v2sf) =	vpush v18, $0xD;
	s21 =	spop (v2sf)  }
0x129: {  	v17 =	vadd.f32 v24, v17;
	s6 =	sadd.f32 s6, s15;
	(v2sf) =	vpush v18, $0xE;
	s4 =	spop (v2sf)  }
0x12a: {  	[dreg:$0x17] =	wrdreg s4;
	(v2sf) =	vpush v18, $0xF;
	s4 =	spop (v2sf)  }
0x12b: {  	s1 =	sadd.f32 s1, s11;
	(v2sf) =	vpush v17, $0x0;
	s5 =	spop (v2sf)  }
0x12c: {  	s2 =	sadd.f32 s2, s19;
	(v2sf) =	vpush v17, $0x1;
	s12 =	spop (v2sf)  }
0x12d: {  	s1 =	sadd.f32 s1, s10;
	(v2sf) =	vpush v17, $0x2;
	s17 =	spop (v2sf)  }
0x12e: {  	[dreg:$0xf] =	wrdreg s2;
	(v2sf) =	vpush v17, $0x3;
	s25 =	spop (v2sf)  }
0x12f: {  	s4 =	sadd.f32 s5, s4;
	(v2sf) =	vpush v17, $0x4;
	s20 =	spop (v2sf)  }
0x130: {  	s1 =	sadd.f32 s1, s30;
	(v2sf) =	vpush v17, $0x5;
	s0 =	spop (v2sf)  }
0x131: {  	s4 =	sadd.f32 s4, s12;
	(v2sf) =	vpush v17, $0x6;
	s2 =	spop (v2sf)  }
0x132: {  	[dreg:$0x10] =	wrdreg s1;
	(v2sf) =	vpush v17, $0x7;
	s1 =	spop (v2sf)  }
0x133: {  	s4 =	sadd.f32 s4, s17;
	(v2sf) =	vpush v17, $0x8;
	s30 =	spop (v2sf)  }
0x134: {  	s6 =	sadd.f32 s6, s9;
	(v2sf) =	vpush v17, $0x9;
	s3 =	spop (v2sf)  }
0x135: {  	s4 =	sadd.f32 s4, s25;
	(v2sf) =	vpush v17, $0xA;
	s5 =	spop (v2sf)  }
0x136: {  	s9 =	sadd.f32 s6, s13;
	(v2sf) =	vpush v17, $0xB;
	s19 =	spop (v2sf)  }
0x137: {  	v59 =	vmul.f32 v10, v19;
	s4 =	sadd.f32 s4, s20;
	(v2sf) =	vpush v17, $0xC;
	s11 =	spop (v2sf)  }
0x138: {  	s9 =	sadd.f32 s9, s24;
	(v2sf) =	vpush v17, $0xD;
	s17 =	spop (v2sf)  }
0x139: {  	v15 =	vadd.f32 v59, v15;
	s0 =	sadd.f32 s4, s0;
	(v2sf) =	vpush v17, $0xE;
	s7 =	spop (v2sf)  }
0x13a: {  	s24 =	sadd.f32 s9, s26;
	(v2sf) =	vpush v17, $0xF;
	s8 =	spop (v2sf)  }
0x13b: {  	s0 =	sadd.f32 s0, s2;
	(v2sf) =	vpush v15, $0x0;
	s12 =	spop (v2sf)  }
0x13c: {  	s14 =	sadd.f32 s24, s31;
	(v2sf) =	vpush v15, $0x1;
	s10 =	spop (v2sf)  }
0x13d: {  	s0 =	sadd.f32 s0, s1;
	(v2sf) =	vpush v15, $0x2;
	s6 =	spop (v2sf)  }
0x13e: {  	s14 =	sadd.f32 s14, s16;
	(v2sf) =	vpush v15, $0x3;
	s15 =	spop (v2sf)  }
0x13f: {  	s25 =	sadd.f32 s0, s30;
	(v2sf) =	vpush v15, $0x4;
	s13 =	spop (v2sf)  }
0x140: {  	s14 =	sadd.f32 s14, s29;
	(v2sf) =	vpush v15, $0x5;
	s4 =	spop (v2sf)  }
0x141: {  	s26 =	sadd.f32 s25, s3;
	(v2sf) =	vpush v15, $0x6;
	s2 =	spop (v2sf)  }
0x142: {  	s29 =	rddreg [dreg:$0x17];
	(v2sf) =	vpush v15, $0x7;
	s9 =	spop (v2sf)  }
0x143: {  	s3 =	sadd.f32 s26, s5;
	(v2sf) =	vpush v15, $0x8;
	s1 =	spop (v2sf)  }
0x144: {  	s14 =	sadd.f32 s14, s28;
	(v2sf) =	vpush v15, $0x9;
	s0 =	spop (v2sf)  }
0x145: {  	s3 =	sadd.f32 s3, s19;
	(v2sf) =	vpush v15, $0xA;
	s31 =	spop (v2sf)  }
0x146: {  	s14 =	sadd.f32 s14, s18;
	(v2sf) =	vpush v15, $0xB;
	s30 =	spop (v2sf)  }
0x147: {  	s3 =	sadd.f32 s3, s11;
	(v2sf) =	vpush v15, $0xC;
	s25 =	spop (v2sf)  }
0x148: {  	s14 =	sadd.f32 s14, s21;
	(v2sf) =	vpush v15, $0xD;
	s23 =	spop (v2sf)  }
0x149: {  	v13 =	vadd.f32 v20, v13;
	s3 =	sadd.f32 s3, s17;
	(v2sf) =	vpush v15, $0xE;
	s22 =	spop (v2sf)  }
0x14a: {  	s17 =	sadd.f32 s12, s8;
	(v2sf) =	vpush v15, $0xF;
	s16 =	spop (v2sf)  }
0x14b: {  	s19 =	sadd.f32 s3, s7;
	(v2sf) =	vpush v13, $0x0;
	s24 =	spop (v2sf)  }
0x14c: {  	s7 =	sadd.f32 s17, s10;
	(v2sf) =	vpush v13, $0x1;
	s26 =	spop (v2sf)  }
0x14d: {  	s20 =	sadd.f32 s14, s29;
	(v2sf) =	vpush v13, $0x2;
	s21 =	spop (v2sf)  }
0x14e: {  	s6 =	sadd.f32 s7, s6;
	(v2sf) =	vpush v13, $0x3;
	s28 =	spop (v2sf)  }
0x14f: {  	s5 =	sadd.f32 s24, s16;
	(v2sf) =	vpush v13, $0x4;
	s14 =	spop (v2sf)  }
0x150: {  	s6 =	sadd.f32 s6, s15;
	(v2sf) =	vpush v13, $0x5;
	s3 =	spop (v2sf)  }
0x151: {  	s5 =	sadd.f32 s5, s26;
	(v2sf) =	vpush v13, $0x6;
	s12 =	spop (v2sf)  }
0x152: {  	s6 =	sadd.f32 s6, s13;
	(v2sf) =	vpush v13, $0x7;
	s24 =	spop (v2sf)  }
0x153: {  	s5 =	sadd.f32 s5, s21;
	(v2sf) =	vpush v13, $0x8;
	s17 =	spop (v2sf)  }
0x154: {  	s4 =	sadd.f32 s6, s4;
	(v2sf) =	vpush v13, $0x9;
	s29 =	spop (v2sf)  }
0x155: {  	s5 =	sadd.f32 s5, s28;
	(v2sf) =	vpush v13, $0xA;
	s26 =	spop (v2sf)  }
0x156: {  	s2 =	sadd.f32 s4, s2;
	(v2sf) =	vpush v13, $0xB;
	s21 =	spop (v2sf)  }
0x157: {  	v14 =	vmul.f32 v10, v14;
	s5 =	sadd.f32 s5, s14;
	(v2sf) =	vpush v13, $0xC;
	s15 =	spop (v2sf)  }
0x158: {  	s4 =	sadd.f32 s2, s9;
	(v2sf) =	vpush v13, $0xD;
	s28 =	spop (v2sf)  }
0x159: {  	v8 =	vadd.f32 v14, v8;
	s3 =	sadd.f32 s5, s3;
	(v2sf) =	vpush v13, $0xE;
	s8 =	spop (v2sf)  }
0x15a: {  	s1 =	sadd.f32 s4, s1;
	(v2sf) =	vpush v13, $0xF;
	s10 =	spop (v2sf)  }
0x15b: {  	s3 =	sadd.f32 s3, s12;
	(v2sf) =	vpush v8, $0x0;
	s13 =	spop (v2sf)  }
0x15c: {  	s0 =	sadd.f32 s1, s0;
	(v2sf) =	vpush v8, $0x1;
	s11 =	spop (v2sf)  }
0x15d: {  	s3 =	sadd.f32 s3, s24;
	s7 =	spop (v2sf)  }
0x15e: {  	s24 =	sadd.f32 s0, s31;
	(v2sf) =	vpush v8, $0x2;
	s6 =	spop (v2sf)  }
0x15f: {  	s17 =	sadd.f32 s3, s17;
	(v2sf) =	vpush v8, $0x3;
	s2 =	spop (v2sf)  }
0x160: {  	s14 =	sadd.f32 s24, s30;
	(v2sf) =	vpush v8, $0x4;
	s5 =	spop (v2sf)  }
0x161: {  	s10 =	sadd.f32 s13, s10;
	(v2sf) =	vpush v8, $0x5;
	s4 =	spop (v2sf)  }
0x162: {  	s12 =	sadd.f32 s17, s29;
	(v2sf) =	vpush v8, $0x6;
	s3 =	spop (v2sf)  }
0x163: {  	s14 =	sadd.f32 s14, s25;
	(v2sf) =	vpush v8, $0x7;
	s9 =	spop (v2sf)  }
0x164: {  	s10 =	sadd.f32 s10, s11;
	(v2sf) =	vpush v8, $0x8;
	s1 =	spop (v2sf)  }
0x165: {  	s26 =	sadd.f32 s12, s26;
	(v2sf) =	vpush v8, $0x9;
	s29 =	spop (v2sf)  }
0x166: {  	s14 =	sadd.f32 s14, s23;
	(v2sf) =	vpush v8, $0xA;
	s12 =	spop (v2sf)  }
0x167: {  	v60 =	vsel vm0, $0x3F800000, v1;
	s16 =	sadd.f32 s26, s21;
	(v2sf) =	vpush v8, $0xB;
	s17 =	spop (v2sf)  }
0x168: {  	v13 =	vadd.f32 v60, v16;
	s7 =	sadd.f32 s10, s7;
	(v2sf) =	vpush v8, $0xC;
	s26 =	spop (v2sf)  }
0x169: {  	s15 =	sadd.f32 s16, s15;
	(v2sf) =	vpush v8, $0xD;
	s24 =	spop (v2sf)  }
0x16a: {  	v7 =	vadd.f32 v13, v7;
	s21 =	sadd.f32 s14, s22;
	(v2sf) =	vpush v8, $0xE;
	s31 =	spop (v2sf)  }
0x16b: {  	s15 =	sadd.f32 s15, s28;
	(v2sf) =	vpush v8, $0xF;
	s0 =	spop (v2sf)  }
0x16c: {  	(v2sf) =	vpush v7, $0x0;
	s31 =	sadd.f32 s0, s31  }
0x16d: {  	s22 =	sadd.f32 s15, s8;
	(v2sf) =	vpush v7, $0x1;
	s23 =	spop (v2sf)  }
0x16e: {  	(v2sf) =	vpush v7, $0x2;
	s30 =	spop (v2sf);
	s15 =	sadd.f32 s31, s23  }
0x16f: {  	s6 =	sadd.f32 s7, s6;
	(v2sf) =	vpush v7, $0x3;
	s25 =	spop (v2sf)  }
0x170: {  	(v2sf) =	vpush v7, $0x4;
	s28 =	spop (v2sf);
	s14 =	sadd.f32 s15, s30  }
0x171: {  	s2 =	sadd.f32 s6, s2;
	(v2sf) =	vpush v7, $0x5;
	s0 =	spop (v2sf)  }
0x172: {  	(v2sf) =	vpush v7, $0x6;
	s11 =	spop (v2sf);
	s30 =	sadd.f32 s14, s25  }
0x173: {  	s2 =	sadd.f32 s2, s5;
	(v2sf) =	vpush v7, $0x7;
	s18 =	spop (v2sf)  }
0x174: {  	(v2sf) =	vpush v7, $0x8;
	s10 =	spop (v2sf);
	s31 =	sadd.f32 s30, s28  }
0x175: {  	s2 =	sadd.f32 s2, s4;
	(v2sf) =	vpush v7, $0x9;
	s15 =	spop (v2sf)  }
0x176: {  	(v2sf) =	vpush v7, $0xA;
	s23 =	spop (v2sf);
	s0 =	sadd.f32 s31, s0  }
0x177: {  	s2 =	sadd.f32 s2, s3;
	(v2sf) =	vpush v7, $0xB;
	s14 =	spop (v2sf)  }
0x178: {  	v61 =	vmul.f32 v10, v11;
	(v2sf) =	vpush v7, $0xC;
	s25 =	spop (v2sf);
	s5 =	sadd.f32 s0, s11  }
0x179: {  	(v2sf) =	vpush v7, $0xD;
	s13 =	spop (v2sf);
	s11 =	sadd.f32 s2, s9  }
0x17a: {  	v6 =	vadd.f32 v61, v6;
	(v2sf) =	vpush v7, $0xE;
	s28 =	spop (v2sf);
	s6 =	sadd.f32 s5, s18  }
0x17b: {  	(v2sf) =	vpush v7, $0xF;
	s16 =	spop (v2sf);
	s1 =	sadd.f32 s11, s1  }
0x17c: {  	(v2sf) =	vpush v6, $0x0;
	s30 =	spop (v2sf);
	s3 =	sadd.f32 s6, s10  }
0x17d: {  	(v2sf) =	vpush v6, $0x1;
	s31 =	spop (v2sf);
	s1 =	sadd.f32 s1, s29  }
0x17e: {  	s16 =	sadd.f32 s30, s16;
	(v2sf) =	vpush v6, $0x2;
	s0 =	spop (v2sf)  }
0x17f: {  	(v2sf) =	vpush v6, $0x3;
	s8 =	spop (v2sf);
	s3 =	sadd.f32 s3, s15  }
0x180: {  	s1 =	sadd.f32 s1, s12;
	(v2sf) =	vpush v6, $0x4;
	s7 =	spop (v2sf)  }
0x181: {  	s16 =	sadd.f32 s16, s31;
	(v2sf) =	vpush v6, $0x5;
	s2 =	spop (v2sf)  }
0x182: {  	s15 =	sadd.f32 s3, s23;
	(v2sf) =	vpush v6, $0x6;
	s6 =	spop (v2sf)  }
0x183: {  	s23 =	sadd.f32 s1, s17;
	(v2sf) =	vpush v6, $0x7;
	s5 =	spop (v2sf)  }
0x184: {  	s0 =	sadd.f32 s16, s0;
	(v2sf) =	vpush v6, $0x8;
	s11 =	spop (v2sf)  }
0x185: {  	s18 =	sadd.f32 s15, s14;
	(v2sf) =	vpush v6, $0x9;
	s4 =	spop (v2sf)  }
0x186: {  	vm7 =	veq.s32 v12, $0x7;
	s14 =	sadd.f32 s23, s26;
	(v2sf) =	vpush v6, $0xA;
	s3 =	spop (v2sf)  }
0x187: {  	v62 =	vsel vm7, $0x3F800000, v1;
	s0 =	sadd.f32 s0, s8;
	(v2sf) =	vpush v6, $0xB;
	s10 =	spop (v2sf)  }
0x188: {  	v7 =	vadd.f32 v62, v9;
	s25 =	sadd.f32 s18, s25;
	(v2sf) =	vpush v6, $0xC;
	s9 =	spop (v2sf)  }
0x189: {  	s24 =	sadd.f32 s14, s24;
	(v2sf) =	vpush v6, $0xD;
	s1 =	spop (v2sf)  }
0x18a: {  	v5 =	vadd.f32 v7, v5;
	s0 =	sadd.f32 s0, s7;
	(v2sf) =	vpush v6, $0xE;
	s12 =	spop (v2sf)  }
0x18b: {  	s13 =	sadd.f32 s25, s13;
	(v2sf) =	vpush v6, $0xF;
	s26 =	spop (v2sf)  }
0x18c: {  	s0 =	sadd.f32 s0, s2;
	(v2sf) =	vpush v5, $0x0;
	s29 =	spop (v2sf)  }
0x18d: {  	s23 =	sadd.f32 s13, s28;
	(v2sf) =	vpush v5, $0x1;
	s17 =	spop (v2sf)  }
0x18e: {  	s0 =	sadd.f32 s0, s6;
	(v2sf) =	vpush v5, $0x2;
	s18 =	spop (v2sf)  }
0x18f: {  	s14 =	sadd.f32 s29, s26;
	(v2sf) =	vpush v5, $0x3;
	s25 =	spop (v2sf)  }
0x190: {  	s0 =	sadd.f32 s0, s5;
	(v2sf) =	vpush v5, $0x4;
	s26 =	spop (v2sf)  }
0x191: {  	s13 =	sadd.f32 s14, s17;
	(v2sf) =	vpush v5, $0x5;
	s29 =	spop (v2sf)  }
0x192: {  	s0 =	sadd.f32 s0, s11;
	(v2sf) =	vpush v5, $0x6;
	s30 =	spop (v2sf)  }
0x193: {  	s13 =	sadd.f32 s13, s18;
	(v2sf) =	vpush v5, $0x7;
	s31 =	spop (v2sf)  }
0x194: {  	s0 =	sadd.f32 s0, s4;
	(v2sf) =	vpush v5, $0x8;
	s8 =	spop (v2sf)  }
0x195: {  	s13 =	sadd.f32 s13, s25;
	(v2sf) =	vpush v5, $0x9;
	s25 =	spop (v2sf)  }
0x196: {  	s0 =	sadd.f32 s0, s3;
	(v2sf) =	vpush v5, $0xA;
	s28 =	spop (v2sf)  }
0x197: {  	s13 =	sadd.f32 s13, s26;
	(v2sf) =	vpush v5, $0xB;
	s18 =	spop (v2sf)  }
0x198: {  	v4 =	vmul.f32 v10, v4;
	s0 =	sadd.f32 s0, s10;
	(v2sf) =	vpush v5, $0xC;
	s26 =	spop (v2sf)  }
0x199: {  	s13 =	sadd.f32 s13, s29;
	(v2sf) =	vpush v5, $0xD;
	s14 =	spop (v2sf)  }
0x19a: {  	v3 =	vadd.f32 v4, v3;
	s0 =	sadd.f32 s0, s9;
	(v2sf) =	vpush v5, $0xE;
	s29 =	spop (v2sf)  }
0x19b: {  	s13 =	sadd.f32 s13, s30;
	(v2sf) =	vpush v5, $0xF;
	s16 =	spop (v2sf)  }
0x19c: {  	s0 =	sadd.f32 s0, s1;
	(v2sf) =	vpush v3, $0x0;
	s30 =	spop (v2sf)  }
0x19d: {  	s13 =	sadd.f32 s13, s31;
	(v2sf) =	vpush v3, $0x1;
	s31 =	spop (v2sf)  }
0x19e: {  	s1 =	sadd.f32 s0, s12;
	s11 =	spop (v2sf)  }
0x19f: {  	s8 =	sadd.f32 s13, s8;
	(v2sf) =	vpush v3, $0x2;
	s13 =	spop (v2sf)  }
0x1a0: {  	s5 =	sadd.f32 s30, s16;
	s4 =	spop (v2sf)  }
0x1a1: {  	s8 =	sadd.f32 s8, s25;
	(v2sf) =	vpush v3, $0x3;
	s15 =	spop (v2sf)  }
0x1a2: {  	s5 =	sadd.f32 s5, s31;
	s25 =	spop (v2sf)  }
0x1a3: {  	s28 =	sadd.f32 s8, s28;
	(v2sf) =	vpush v3, $0x4;
	s7 =	spop (v2sf)  }
0x1a4: {  	s5 =	sadd.f32 s5, s11;
	s8 =	spop (v2sf)  }
0x1a5: {  	s3 =	sadd.f32 s28, s18;
	(v2sf) =	vpush v3, $0x5;
	s10 =	spop (v2sf)  }
0x1a6: {  	s11 =	rddreg [dreg:$0xc];
	s9 =	spop (v2sf)  }
0x1a7: {  	s2 =	sadd.f32 s3, s26;
	(v2sf) =	vpush v3, $0x6;
	s18 =	spop (v2sf)  }
0x1a8: {  	s5 =	sadd.f32 s5, s13;
	s26 =	spop (v2sf)  }
0x1a9: {  	(v2sf) =	vpush v3, $0x7;
	s14 =	sadd.f32 s2, s14;
	s3 =	spop (v2sf)  }
0x1aa: {  	s13 =	rddreg [dreg:$0xb];
	s2 =	spop (v2sf)  }
0x1ab: {  	(v2sf) =	vpush v3, $0x8;
	s0 =	sadd.f32 s14, s29;
	s29 =	spop (v2sf)  }
0x1ac: {  	s4 =	sadd.f32 s5, s4;
	s30 =	spop (v2sf)  }
0x1ad: {  	(v2sf) =	vpush v3, $0x9;
	s6 =	sadd.f32 s30, s29  }
0x1ae: {  	s4 =	sadd.f32 s4, s15;
	s31 =	spop (v2sf)  }
0x1af: {  	(v2sf) =	vpush v3, $0xA;
	s6 =	sadd.f32 s6, s31  }
0x1b0: {  	s4 =	sadd.f32 s4, s25;
	s14 =	spop (v2sf)  }
0x1b1: {  	(v2sf) =	vpush v3, $0xB;
	s6 =	sadd.f32 s6, s14  }
0x1b2: {  	s4 =	sadd.f32 s4, s7;
	s16 =	spop (v2sf)  }
0x1b3: {  	(v2sf) =	vpush v3, $0xC;
	s6 =	sadd.f32 s6, s16  }
0x1b4: {  	s4 =	sadd.f32 s4, s8;
	s17 =	spop (v2sf)  }
0x1b5: {  	(v2sf) =	vpush v3, $0xD;
	s5 =	sadd.f32 s6, s17  }
0x1b6: {  	s4 =	sadd.f32 s4, s10;
	s28 =	spop (v2sf)  }
0x1b7: {  	(v2sf) =	vpush v3, $0xE;
	s5 =	sadd.f32 s5, s28  }
0x1b8: {  	s4 =	sadd.f32 s4, s9;
	s29 =	spop (v2sf)  }
0x1b9: {  	(v2sf) =	vpush v3, $0xF;
	s5 =	sadd.f32 s5, s29  }
0x1ba: {  	s14 =	rddreg [dreg:$0xe];
	s30 =	spop (v2sf)  }
0x1bb: {  	s5 =	sadd.f32 s5, s30  }
0x1bc: {  	s4 =	sadd.f32 s4, s18;
	s31 =	spop (v2sf)  }
0x1bd: {  	s5 =	sadd.f32 s5, s31  }
0x1be: {  	s16 =	rddreg [dreg:$0xd];
	s7 =	spop (v2sf)  }
0x1bf: {  	s5 =	sadd.f32 s5, s7  }
0x1c0: {  	s18 =	rddreg [dreg:$0x10];
	s10 =	spop (v2sf)  }
0x1c1: {  	s5 =	sadd.f32 s5, s10  }
0x1c2: {  	vm8 =	veq.s32 v2, $0x0;
	v3 =	vmov s11;
	s4 =	sadd.f32 s4, s26;
	s12 =	spop (v2sf)  }
0x1c3: {  	vm9 =	veq.s32 v2, $0x1;
	v63 =	vmov s13;
	v3 =	vnsel vm8, $0x0, v3;
	s5 =	sadd.f32 s5, s12  }
0x1c4: {  	vm10 =	veq.s32 v2, $0x2;
	v4 =	vnsel vm8, $0x0, v63;
	s17 =	rddreg [dreg:$0xf];
	v3 =	vsel vm9, s14, v3;
	s15 =	spop (v2sf)  }
0x1c5: {  	vm11 =	veq.s32 v2, $0x3;
	v4 =	vsel vm9, s16, v4;
	v3 =	vsel vm10, s17, v3;
	s5 =	sadd.f32 s5, s15  }
0x1c6: {  	vm12 =	veq.s32 v2, $0x4;
	v4 =	vsel vm10, s18, v4;
	s3 =	sadd.f32 s4, s3;
	v3 =	vsel vm11, s20, v3;
	s20 =	spop (v2sf)  }
0x1c7: {  	vm13 =	veq.s32 v2, $0x5;
	v4 =	vsel vm11, s19, v4;
	v3 =	vsel vm12, s21, v3;
	s4 =	sadd.f32 s5, s20  }
0x1c8: {  	vm14 =	veq.s32 v2, $0x6;
	v4 =	vsel vm12, s22, v4;
	s2 =	sadd.f32 s3, s2;
	v3 =	vsel vm13, s24, v3;
	s25 =	spop (v2sf)  }
0x1c9: {  	vm15 =	veq.s32 v2, $0x7;
	v4 =	vsel vm13, s23, v4;
	v3 =	vsel vm14, s1, v3;
	s26 =	sadd.f32 s4, s25  }
0x1ca: {  	v4 =	vsel vm14, s0, v4;
	v3 =	vsel vm15, s2, v3  }
0x1cb: {  	s8 =	simm.s32 $0x0;
	[tilespmem:$0x3000] =	vst v3;
	v4 =	vsel vm15, s26, v4  }
0x1cc: {  	s28 =	rddreg [dreg:$0x8];
	s29 =	simm.s32 $0x3000;
	s2 =	simm.s32 $0x1;
	[tilespmem:$0x3010] =	vst v4  }
0x1cd: {  	[hbm4b:s28+s8] =	stream.linear.scatter [tilespmem:s29], [sflag:$0x1], $0x80, $0x38;
	[tilespmem:$0x3080] =	vst v63  }
0x1ce: {  	_ =	swait.ge [sflag:s2], $0x80  }
0x1cf: {  	s30 =	rddreg [dreg:$0xa]  }
0x1d0: {  	s31 =	rddreg [dreg:$0x9];
	s1 =	sadd.s32 $0x1, s30  }
0x1d1: {  	p0 =	sne.s32 s1, s31  }
.Ltmp1:
0x1d2: {  	_ = 	snop;
	(pc) =	sbr.rel @p0 .LBB2_1-.Ltmp1, $3  }
0x1d3: {  	_ =	sdelay $0x1  }
0x1d4: {  	[sflag:s2] =	ssyncset.done $0x0  }
0x1d5: {  	[sflag:s2] =	ssyncadd.s32 $0xFFFFFF80  }
0x1d6: {  	_ =	sfence.sel $0x180000  }
0x1d7: {  	[bflag:$0x0] =	sbarrier.arrive $0xFFFF  }
0x1d8: {  	_ =	strace $0x90000047  }
0x1d9: {  	s0 =	stileid.u32;
	[bflag:$0x2] =	sbarrier.arrive $0xFFFF  }
0x1da: {  	p0 =	sne.s32 s0, $0x0;
	s0 =	rddreg [dreg:$0x4]  }
0x1db: {  	s0 =	sadd.s32 @!p0 $0x100000, s0  }
0x1dc: {  	[sflag:s0] =	ssyncadd.tile.s32 @!p0 $0x1;
	_ =	shalt  }
.Lfunc_end2:
_tile_overlayer_lowered:
.L_overlay_start_2:
0x1dd: {  	(tag) =	ssettag $0x2  }
0x1de: {  	s0 =	rddreg [dreg:$0x0];
	s2 =	stileid.u32  }
0x1df: {  	s1 =	rddreg [dreg:$0x1];
	p0 =	sne.s32 s2, $0x0  }
0x1e0: {  	s3 =	rddreg [dreg:$0x2];
	[bflag:$0x3] =	sbarrier.arrive $0xFFFF;
	s2 =	simm.s32 @!p0 $0x1C01  }
0x1e1: {  	[timem:s3], [sflag:s2] =	dma.local @!p0 [hbm:s0], s1  }
0x1e2: {  	s0 =	simm.s32 @!p0 $0x1  }
0x1e3: {  	_ =	swait.ge @!p0 [sflag:s0], s1  }
0x1e4: {  	s1 =	ssub.s32 @!p0 $0x0, s1;
	[sflag:s0] =	ssyncset.done @!p0 $0x0  }
0x1e5: {  	[sflag:s0] =	ssyncadd.s32 @!p0 s1  }
0x1e6: {  	[bflag:$0x3] =	sbarrier.arrive $0xFFFF  }
0x1e7: {  	_ =	shalt  }

</sc_bundles>
